<compile_context>
chip_gen: v7x
topology: tpu7x:2x2x1
jax: 0.10.2.dev20260603
libtpu: 0.0.44.dev20260713+nightly
codegen_flags: <defaults>
</compile_context>

<pallas_src>
import jax
import jax.numpy as jnp
from jax import lax
from jax.experimental import pallas as pl
from jax.experimental.layout import Layout, with_layout_constraint
from jax.experimental.pallas import tpu as pltpu
from jax.experimental.pallas import tpu_sc as plsc

_NC = 2
_NS = 16
_NW = _NC * _NS
_C = 784
_LANES = 128


def _sc_gather1(table, idx, nch):
    dim = table.shape[1]
    out_type = jax.ShapeDtypeStruct((idx.shape[0], _LANES), table.dtype)
    mesh = plsc.VectorSubcoreMesh(core_axis_name="c", subcore_axis_name="s")

    @pl.kernel(
        out_type=out_type,
        mesh=mesh,
        scratch_types=[
            pltpu.VMEM((_C,), jnp.int32),
            pltpu.VMEM((_C,), jnp.int32),
            pltpu.VMEM((_C, dim), jnp.float32),
            pltpu.VMEM((_C, dim), jnp.float32),
            pltpu.SemaphoreType.DMA,
            pltpu.SemaphoreType.DMA,
            pltpu.SemaphoreType.DMA,
            pltpu.SemaphoreType.DMA,
        ],
        compiler_params=pltpu.CompilerParams(use_tc_tiling_on_sc=False),
    )
    def gather_kernel(tab, idxr, outr, idx_v0, idx_v1, rows_v0, rows_v1,
                      gsem0, gsem1, wsem0, wsem1):
        idx_v = (idx_v0, idx_v1)
        rows_v = (rows_v0, rows_v1)
        gsem = (gsem0, gsem1)
        wsem = (wsem0, wsem1)
        wid = lax.axis_index("s") * _NC + lax.axis_index("c")

        n_rows = outr.shape[0]
        base = wid * (nch * _C)
        offs = [jnp.minimum(base + c * _C, n_rows - _C) for c in range(nch)]
        n = nch

        def start_gather(w, b):
            pltpu.sync_copy(idxr.at[pl.ds(offs[w], _C)], idx_v[b])
            return pltpu.async_copy(tab.at[idx_v[b]], rows_v[b], gsem[b])

        def start_writeback(w, b):
            return pltpu.async_copy(
                rows_v[b], outr.at[pl.ds(offs[w], _C), pl.ds(0, dim)], wsem[b])

        gh = [None] * n
        wh = [None] * n
        gh[0] = start_gather(0, 0)
        for w in range(n):
            b = w % 2
            if w + 1 < n:
                if w >= 1:
                    wh[w - 1].wait()
                gh[w + 1] = start_gather(w + 1, 1 - b)
            gh[w].wait()
            wh[w] = start_writeback(w, b)
        if n >= 2:
            wh[n - 2].wait()
        wh[n - 1].wait()

    return gather_kernel(table, idx)


def kernel(E_user, E_item, E_category, idx_user, idx_item, idx_category):
    dim = E_user.shape[1]
    outs = (
        _sc_gather1(E_user, idx_user.astype(jnp.int32), 2),
        _sc_gather1(E_item, idx_item.astype(jnp.int32), 2),
        _sc_gather1(E_category, idx_category.astype(jnp.int32), 1),
    )
    return tuple(o[:, :dim] for o in outs)

# --- scband reference (transcript-rebuilt; emitter-appended) ---
"""Pipeline reference for scband-rel-graph-embedding-54116587930308 (READ-ONLY COPY).

The authoritative reference and input builder live on the scoring server;
editing this copy changes nothing except your own understanding.
"""

import jax, jax.numpy as jnp
import numpy as np


def _xavier(key, shape, gain):
    fan_in, fan_out = shape[1], shape[0]
    a = gain * np.sqrt(6.0 / (fan_in + fan_out))
    return jax.random.uniform(key, shape, dtype=jnp.float32, minval=-a, maxval=a)


def setup_inputs(seed: int = 0) -> dict:
    key = jax.random.key(seed)
    k1, k2, k3, k4, k5, k6 = jax.random.split(key, 6)
    gain = float(np.sqrt(2.0))  # calculate_gain('relu')
    E_user = _xavier(k1, (100000, 64), gain)
    E_item = _xavier(k2, (100000, 64), gain)
    E_category = _xavier(k3, (50000, 64), gain)
    idx_user = jax.random.randint(k4, (50000,), 0, 100000, dtype=jnp.int64 if jax.config.jax_enable_x64 else jnp.int32)
    idx_item = jax.random.randint(k5, (50000,), 0, 100000, dtype=jnp.int64 if jax.config.jax_enable_x64 else jnp.int32)
    idx_category = jax.random.randint(k6, (25000,), 0, 50000, dtype=jnp.int64 if jax.config.jax_enable_x64 else jnp.int32)
    return {
        "E_user": E_user,
        "E_item": E_item,
        "E_category": E_category,
        "idx_user": idx_user,
        "idx_item": idx_item,
        "idx_category": idx_category,
    }


def reference(E_user, E_item, E_category, idx_user, idx_item, idx_category):
    # Faithful translation of RelGraphEmbedding.forward: per-ntype embedding row gather
    # x[ntype] = self._embeddings[ntype][block.nodes(ntype)]
    x_user = jnp.take(E_user, idx_user, axis=0)
    x_item = jnp.take(E_item, idx_item, axis=0)
    x_category = jnp.take(E_category, idx_category, axis=0)
    return (x_user, x_item, x_category)

if __name__ == "__main__":
    import jax
    _d = setup_inputs()
    print(jax.jit(kernel)(*tuple(_d.values())))

</pallas_src>

<mosaic_0001>
#map = affine_map<(d0, d1) -> (0, 0)>
#map1 = affine_map<(d0, d1) -> (0)>
module attributes {stable_mosaic.version = 14 : i64} {
  func.func @gather_kernel(%arg0: i32, %arg1: i32, %arg2: memref<100000x64xf32, #tpu.memory_space<hbm>>, %arg3: memref<50000xi32, #tpu.memory_space<hbm>>, %arg4: memref<50000x128xf32, #tpu.memory_space<hbm>>, %arg5: memref<784xi32, #tpu.memory_space<vmem>>, %arg6: memref<784xi32, #tpu.memory_space<vmem>>, %arg7: memref<784x64xf32, #tpu.memory_space<vmem>>, %arg8: memref<784x64xf32, #tpu.memory_space<vmem>>, %arg9: memref<!tpu.dma_semaphore, #tpu.memory_space<semaphore_mem>>, %arg10: memref<!tpu.dma_semaphore, #tpu.memory_space<semaphore_mem>>, %arg11: memref<!tpu.dma_semaphore, #tpu.memory_space<semaphore_mem>>, %arg12: memref<!tpu.dma_semaphore, #tpu.memory_space<semaphore_mem>>) attributes {dimension_semantics = [#tpu.dimension_semantics<core_parallel>, #tpu.dimension_semantics<subcore_parallel>], iteration_bounds = array<i64: 2, 16>, scalar_prefetch = 0 : i64, scratch_operands = 8 : i64, tpu.core_type = #tpu.core_type<sc_vector_subcore>, window_params = [{transform_indices = #map}, {transform_indices = #map1}, {transform_indices = #map}]} {
    %mul3A = arith.constant 2 : i32
    %mul3A_0 = arith.muli %arg1, %mul3A : i32
    %add3A = arith.addi %mul3A_0, %arg0 : i32
    %mul3A_1 = arith.constant 1568 : i32
    %mul3A_2 = arith.muli %add3A, %mul3A_1 : i32
    %add3A_3 = arith.constant 0 : i32
    %add3A_4 = arith.addi %mul3A_2, %add3A_3 : i32
    %min3A = arith.constant 49216 : i32
    %min3A_5 = arith.minsi %add3A_4, %min3A : i32
    %add3A_6 = arith.constant 784 : i32
    %add3A_7 = arith.addi %mul3A_2, %add3A_6 : i32
    %min3A_8 = arith.constant 49216 : i32
    %min3A_9 = arith.minsi %add3A_7, %min3A_8 : i32
    "tpu.region"() ({
      %run_scoped3A = tpu.sem_alloc : memref<!tpu.dma_semaphore, #tpu.memory_space<semaphore_mem>>
      %dma_start3A_36 = tpu.memref_slice %arg3[%min3A_5] : memref<50000xi32, #tpu.memory_space<hbm>> -> memref<784xi32, #tpu.memory_space<hbm>>
      %dma_start3A_37 = tpu.memref_slice %arg3[%min3A_5] : memref<50000xi32, #tpu.memory_space<hbm>> -> memref<784xi32, #tpu.memory_space<hbm>>
      tpu.enqueue_dma source(%dma_start3A_37 : memref<784xi32, #tpu.memory_space<hbm>>) target(%arg5 : memref<784xi32, #tpu.memory_space<vmem>>) target_semaphore(%run_scoped3A : memref<!tpu.dma_semaphore, #tpu.memory_space<semaphore_mem>>)
      %dma_wait3A_38 = tpu.memref_slice %arg3[%min3A_5] : memref<50000xi32, #tpu.memory_space<hbm>> -> memref<784xi32, #tpu.memory_space<hbm>>
      %dma_wait3A_39 = tpu.memref_slice %arg3[%min3A_5] : memref<50000xi32, #tpu.memory_space<hbm>> -> memref<784xi32, #tpu.memory_space<hbm>>
      tpu.wait_dma2 semaphore(%run_scoped3A : memref<!tpu.dma_semaphore, #tpu.memory_space<semaphore_mem>>) src(%dma_wait3A_39 : memref<784xi32, #tpu.memory_space<hbm>>) dst(%arg5 : memref<784xi32, #tpu.memory_space<vmem>>)
      tpu.yield
    }) : () -> ()
    %dma_start3A = arith.constant 0 : i32
    %dma_start3A_10 = arith.constant 0 : i32
    %dma_start3A_11 = tpu.memref_slice %arg2[%dma_start3A, %dma_start3A_10] : memref<100000x64xf32, #tpu.memory_space<hbm>> -> memref<100000x64xf32, #tpu.memory_space<hbm>>
    tpu.enqueue_indirect_dma source(%dma_start3A_11 : memref<100000x64xf32, #tpu.memory_space<hbm>>) target(%arg7 : memref<784x64xf32, #tpu.memory_space<vmem>>) offsets(%arg5 : memref<784xi32, #tpu.memory_space<vmem>>) semaphore(%arg9 : memref<!tpu.dma_semaphore, #tpu.memory_space<semaphore_mem>>)
    "tpu.region"() ({
      %run_scoped3A = tpu.sem_alloc : memref<!tpu.dma_semaphore, #tpu.memory_space<semaphore_mem>>
      %dma_start3A_36 = tpu.memref_slice %arg3[%min3A_9] : memref<50000xi32, #tpu.memory_space<hbm>> -> memref<784xi32, #tpu.memory_space<hbm>>
      %dma_start3A_37 = tpu.memref_slice %arg3[%min3A_9] : memref<50000xi32, #tpu.memory_space<hbm>> -> memref<784xi32, #tpu.memory_space<hbm>>
      tpu.enqueue_dma source(%dma_start3A_37 : memref<784xi32, #tpu.memory_space<hbm>>) target(%arg6 : memref<784xi32, #tpu.memory_space<vmem>>) target_semaphore(%run_scoped3A : memref<!tpu.dma_semaphore, #tpu.memory_space<semaphore_mem>>)
      %dma_wait3A_38 = tpu.memref_slice %arg3[%min3A_9] : memref<50000xi32, #tpu.memory_space<hbm>> -> memref<784xi32, #tpu.memory_space<hbm>>
      %dma_wait3A_39 = tpu.memref_slice %arg3[%min3A_9] : memref<50000xi32, #tpu.memory_space<hbm>> -> memref<784xi32, #tpu.memory_space<hbm>>
      tpu.wait_dma2 semaphore(%run_scoped3A : memref<!tpu.dma_semaphore, #tpu.memory_space<semaphore_mem>>) src(%dma_wait3A_39 : memref<784xi32, #tpu.memory_space<hbm>>) dst(%arg6 : memref<784xi32, #tpu.memory_space<vmem>>)
      tpu.yield
    }) : () -> ()
    %dma_start3A_12 = arith.constant 0 : i32
    %dma_start3A_13 = arith.constant 0 : i32
    %dma_start3A_14 = tpu.memref_slice %arg2[%dma_start3A_12, %dma_start3A_13] : memref<100000x64xf32, #tpu.memory_space<hbm>> -> memref<100000x64xf32, #tpu.memory_space<hbm>>
    tpu.enqueue_indirect_dma source(%dma_start3A_14 : memref<100000x64xf32, #tpu.memory_space<hbm>>) target(%arg8 : memref<784x64xf32, #tpu.memory_space<vmem>>) offsets(%arg6 : memref<784xi32, #tpu.memory_space<vmem>>) semaphore(%arg10 : memref<!tpu.dma_semaphore, #tpu.memory_space<semaphore_mem>>)
    %dma_wait3A = arith.constant 0 : i32
    %dma_wait3A_15 = arith.constant 0 : i32
    %dma_wait3A_16 = tpu.memref_slice %arg2[%dma_wait3A, %dma_wait3A_15] : memref<100000x64xf32, #tpu.memory_space<hbm>> -> memref<100000x64xf32, #tpu.memory_space<hbm>>
    tpu.wait_indirect_dma semaphore(%arg9 : memref<!tpu.dma_semaphore, #tpu.memory_space<semaphore_mem>>) src(%dma_wait3A_16 : memref<100000x64xf32, #tpu.memory_space<hbm>>) dst(%arg7 : memref<784x64xf32, #tpu.memory_space<vmem>>)
    %dma_start3A_17 = arith.constant 0 : i32
    %dma_start3A_18 = tpu.memref_slice %arg4[%min3A_5, %dma_start3A_17] : memref<50000x128xf32, #tpu.memory_space<hbm>> -> memref<784x64xf32, #tpu.memory_space<hbm>>
    %dma_start3A_19 = arith.constant 0 : i32
    %dma_start3A_20 = tpu.memref_slice %arg4[%min3A_5, %dma_start3A_19] : memref<50000x128xf32, #tpu.memory_space<hbm>> -> memref<784x64xf32, #tpu.memory_space<hbm>>
    tpu.enqueue_dma source(%arg7 : memref<784x64xf32, #tpu.memory_space<vmem>>) target(%dma_start3A_20 : memref<784x64xf32, #tpu.memory_space<hbm>>) target_semaphore(%arg11 : memref<!tpu.dma_semaphore, #tpu.memory_space<semaphore_mem>>)
    %dma_wait3A_21 = arith.constant 0 : i32
    %dma_wait3A_22 = arith.constant 0 : i32
    %dma_wait3A_23 = tpu.memref_slice %arg2[%dma_wait3A_21, %dma_wait3A_22] : memref<100000x64xf32, #tpu.memory_space<hbm>> -> memref<100000x64xf32, #tpu.memory_space<hbm>>
    tpu.wait_indirect_dma semaphore(%arg10 : memref<!tpu.dma_semaphore, #tpu.memory_space<semaphore_mem>>) src(%dma_wait3A_23 : memref<100000x64xf32, #tpu.memory_space<hbm>>) dst(%arg8 : memref<784x64xf32, #tpu.memory_space<vmem>>)
    %dma_start3A_24 = arith.constant 0 : i32
    %dma_start3A_25 = tpu.memref_slice %arg4[%min3A_9, %dma_start3A_24] : memref<50000x128xf32, #tpu.memory_space<hbm>> -> memref<784x64xf32, #tpu.memory_space<hbm>>
    %dma_start3A_26 = arith.constant 0 : i32
    %dma_start3A_27 = tpu.memref_slice %arg4[%min3A_9, %dma_start3A_26] : memref<50000x128xf32, #tpu.memory_space<hbm>> -> memref<784x64xf32, #tpu.memory_space<hbm>>
    tpu.enqueue_dma source(%arg8 : memref<784x64xf32, #tpu.memory_space<vmem>>) target(%dma_start3A_27 : memref<784x64xf32, #tpu.memory_space<hbm>>) target_semaphore(%arg12 : memref<!tpu.dma_semaphore, #tpu.memory_space<semaphore_mem>>)
    %dma_wait3A_28 = arith.constant 0 : i32
    %dma_wait3A_29 = tpu.memref_slice %arg4[%min3A_5, %dma_wait3A_28] : memref<50000x128xf32, #tpu.memory_space<hbm>> -> memref<784x64xf32, #tpu.memory_space<hbm>>
    %dma_wait3A_30 = arith.constant 0 : i32
    %dma_wait3A_31 = tpu.memref_slice %arg4[%min3A_5, %dma_wait3A_30] : memref<50000x128xf32, #tpu.memory_space<hbm>> -> memref<784x64xf32, #tpu.memory_space<hbm>>
    tpu.wait_dma2 semaphore(%arg11 : memref<!tpu.dma_semaphore, #tpu.memory_space<semaphore_mem>>) src(%arg7 : memref<784x64xf32, #tpu.memory_space<vmem>>) dst(%dma_wait3A_31 : memref<784x64xf32, #tpu.memory_space<hbm>>)
    %dma_wait3A_32 = arith.constant 0 : i32
    %dma_wait3A_33 = tpu.memref_slice %arg4[%min3A_9, %dma_wait3A_32] : memref<50000x128xf32, #tpu.memory_space<hbm>> -> memref<784x64xf32, #tpu.memory_space<hbm>>
    %dma_wait3A_34 = arith.constant 0 : i32
    %dma_wait3A_35 = tpu.memref_slice %arg4[%min3A_9, %dma_wait3A_34] : memref<50000x128xf32, #tpu.memory_space<hbm>> -> memref<784x64xf32, #tpu.memory_space<hbm>>
    tpu.wait_dma2 semaphore(%arg12 : memref<!tpu.dma_semaphore, #tpu.memory_space<semaphore_mem>>) src(%arg8 : memref<784x64xf32, #tpu.memory_space<vmem>>) dst(%dma_wait3A_35 : memref<784x64xf32, #tpu.memory_space<hbm>>)
    return
  }
}

#map = affine_map<(d0, d1) -> (0, 0)>
#map1 = affine_map<(d0, d1) -> (0)>
module attributes {stable_mosaic.version = 14 : i64} {
  func.func @gather_kernel(%arg0: i32, %arg1: i32, %arg2: memref<50000x64xf32, #tpu.memory_space<hbm>>, %arg3: memref<25000xi32, #tpu.memory_space<hbm>>, %arg4: memref<25000x128xf32, #tpu.memory_space<hbm>>, %arg5: memref<784xi32, #tpu.memory_space<vmem>>, %arg6: memref<784xi32, #tpu.memory_space<vmem>>, %arg7: memref<784x64xf32, #tpu.memory_space<vmem>>, %arg8: memref<784x64xf32, #tpu.memory_space<vmem>>, %arg9: memref<!tpu.dma_semaphore, #tpu.memory_space<semaphore_mem>>, %arg10: memref<!tpu.dma_semaphore, #tpu.memory_space<semaphore_mem>>, %arg11: memref<!tpu.dma_semaphore, #tpu.memory_space<semaphore_mem>>, %arg12: memref<!tpu.dma_semaphore, #tpu.memory_space<semaphore_mem>>) attributes {dimension_semantics = [#tpu.dimension_semantics<core_parallel>, #tpu.dimension_semantics<subcore_parallel>], iteration_bounds = array<i64: 2, 16>, scalar_prefetch = 0 : i64, scratch_operands = 8 : i64, tpu.core_type = #tpu.core_type<sc_vector_subcore>, window_params = [{transform_indices = #map}, {transform_indices = #map1}, {transform_indices = #map}]} {
    %mul3A = arith.constant 2 : i32
    %mul3A_0 = arith.muli %arg1, %mul3A : i32
    %add3A = arith.addi %mul3A_0, %arg0 : i32
    %mul3A_1 = arith.constant 784 : i32
    %mul3A_2 = arith.muli %add3A, %mul3A_1 : i32
    %add3A_3 = arith.constant 0 : i32
    %add3A_4 = arith.addi %mul3A_2, %add3A_3 : i32
    %min3A = arith.constant 24216 : i32
    %min3A_5 = arith.minsi %add3A_4, %min3A : i32
    "tpu.region"() ({
      %run_scoped3A = tpu.sem_alloc : memref<!tpu.dma_semaphore, #tpu.memory_space<semaphore_mem>>
      %dma_start3A_18 = tpu.memref_slice %arg3[%min3A_5] : memref<25000xi32, #tpu.memory_space<hbm>> -> memref<784xi32, #tpu.memory_space<hbm>>
      %dma_start3A_19 = tpu.memref_slice %arg3[%min3A_5] : memref<25000xi32, #tpu.memory_space<hbm>> -> memref<784xi32, #tpu.memory_space<hbm>>
      tpu.enqueue_dma source(%dma_start3A_19 : memref<784xi32, #tpu.memory_space<hbm>>) target(%arg5 : memref<784xi32, #tpu.memory_space<vmem>>) target_semaphore(%run_scoped3A : memref<!tpu.dma_semaphore, #tpu.memory_space<semaphore_mem>>)
      %dma_wait3A_20 = tpu.memref_slice %arg3[%min3A_5] : memref<25000xi32, #tpu.memory_space<hbm>> -> memref<784xi32, #tpu.memory_space<hbm>>
      %dma_wait3A_21 = tpu.memref_slice %arg3[%min3A_5] : memref<25000xi32, #tpu.memory_space<hbm>> -> memref<784xi32, #tpu.memory_space<hbm>>
      tpu.wait_dma2 semaphore(%run_scoped3A : memref<!tpu.dma_semaphore, #tpu.memory_space<semaphore_mem>>) src(%dma_wait3A_21 : memref<784xi32, #tpu.memory_space<hbm>>) dst(%arg5 : memref<784xi32, #tpu.memory_space<vmem>>)
      tpu.yield
    }) : () -> ()
    %dma_start3A = arith.constant 0 : i32
    %dma_start3A_6 = arith.constant 0 : i32
    %dma_start3A_7 = tpu.memref_slice %arg2[%dma_start3A, %dma_start3A_6] : memref<50000x64xf32, #tpu.memory_space<hbm>> -> memref<50000x64xf32, #tpu.memory_space<hbm>>
    tpu.enqueue_indirect_dma source(%dma_start3A_7 : memref<50000x64xf32, #tpu.memory_space<hbm>>) target(%arg7 : memref<784x64xf32, #tpu.memory_space<vmem>>) offsets(%arg5 : memref<784xi32, #tpu.memory_space<vmem>>) semaphore(%arg9 : memref<!tpu.dma_semaphore, #tpu.memory_space<semaphore_mem>>)
    %dma_wait3A = arith.constant 0 : i32
    %dma_wait3A_8 = arith.constant 0 : i32
    %dma_wait3A_9 = tpu.memref_slice %arg2[%dma_wait3A, %dma_wait3A_8] : memref<50000x64xf32, #tpu.memory_space<hbm>> -> memref<50000x64xf32, #tpu.memory_space<hbm>>
    tpu.wait_indirect_dma semaphore(%arg9 : memref<!tpu.dma_semaphore, #tpu.memory_space<semaphore_mem>>) src(%dma_wait3A_9 : memref<50000x64xf32, #tpu.memory_space<hbm>>) dst(%arg7 : memref<784x64xf32, #tpu.memory_space<vmem>>)
    %dma_start3A_10 = arith.constant 0 : i32
    %dma_start3A_11 = tpu.memref_slice %arg4[%min3A_5, %dma_start3A_10] : memref<25000x128xf32, #tpu.memory_space<hbm>> -> memref<784x64xf32, #tpu.memory_space<hbm>>
    %dma_start3A_12 = arith.constant 0 : i32
    %dma_start3A_13 = tpu.memref_slice %arg4[%min3A_5, %dma_start3A_12] : memref<25000x128xf32, #tpu.memory_space<hbm>> -> memref<784x64xf32, #tpu.memory_space<hbm>>
    tpu.enqueue_dma source(%arg7 : memref<784x64xf32, #tpu.memory_space<vmem>>) target(%dma_start3A_13 : memref<784x64xf32, #tpu.memory_space<hbm>>) target_semaphore(%arg11 : memref<!tpu.dma_semaphore, #tpu.memory_space<semaphore_mem>>)
    %dma_wait3A_14 = arith.constant 0 : i32
    %dma_wait3A_15 = tpu.memref_slice %arg4[%min3A_5, %dma_wait3A_14] : memref<25000x128xf32, #tpu.memory_space<hbm>> -> memref<784x64xf32, #tpu.memory_space<hbm>>
    %dma_wait3A_16 = arith.constant 0 : i32
    %dma_wait3A_17 = tpu.memref_slice %arg4[%min3A_5, %dma_wait3A_16] : memref<25000x128xf32, #tpu.memory_space<hbm>> -> memref<784x64xf32, #tpu.memory_space<hbm>>
    tpu.wait_dma2 semaphore(%arg11 : memref<!tpu.dma_semaphore, #tpu.memory_space<semaphore_mem>>) src(%arg7 : memref<784x64xf32, #tpu.memory_space<vmem>>) dst(%dma_wait3A_17 : memref<784x64xf32, #tpu.memory_space<hbm>>)
    return
  }
}

#map = affine_map<(d0, d1) -> (0, 0)>
#map1 = affine_map<(d0, d1) -> (0)>
module attributes {stable_mosaic.version = 14 : i64} {
  func.func @gather_kernel(%arg0: i32, %arg1: i32, %arg2: memref<100000x64xf32, #tpu.memory_space<hbm>>, %arg3: memref<50000xi32, #tpu.memory_space<hbm>>, %arg4: memref<50000x128xf32, #tpu.memory_space<hbm>>, %arg5: memref<784xi32, #tpu.memory_space<vmem>>, %arg6: memref<784xi32, #tpu.memory_space<vmem>>, %arg7: memref<784x64xf32, #tpu.memory_space<vmem>>, %arg8: memref<784x64xf32, #tpu.memory_space<vmem>>, %arg9: memref<!tpu.dma_semaphore, #tpu.memory_space<semaphore_mem>>, %arg10: memref<!tpu.dma_semaphore, #tpu.memory_space<semaphore_mem>>, %arg11: memref<!tpu.dma_semaphore, #tpu.memory_space<semaphore_mem>>, %arg12: memref<!tpu.dma_semaphore, #tpu.memory_space<semaphore_mem>>) attributes {dimension_semantics = [#tpu.dimension_semantics<core_parallel>, #tpu.dimension_semantics<subcore_parallel>], iteration_bounds = array<i64: 2, 16>, scalar_prefetch = 0 : i64, scratch_operands = 8 : i64, tpu.core_type = #tpu.core_type<sc_vector_subcore>, window_params = [{transform_indices = #map}, {transform_indices = #map1}, {transform_indices = #map}]} {
    %mul3A = arith.constant 2 : i32
    %mul3A_0 = arith.muli %arg1, %mul3A : i32
    %add3A = arith.addi %mul3A_0, %arg0 : i32
    %mul3A_1 = arith.constant 1568 : i32
    %mul3A_2 = arith.muli %add3A, %mul3A_1 : i32
    %add3A_3 = arith.constant 0 : i32
    %add3A_4 = arith.addi %mul3A_2, %add3A_3 : i32
    %min3A = arith.constant 49216 : i32
    %min3A_5 = arith.minsi %add3A_4, %min3A : i32
    %add3A_6 = arith.constant 784 : i32
    %add3A_7 = arith.addi %mul3A_2, %add3A_6 : i32
    %min3A_8 = arith.constant 49216 : i32
    %min3A_9 = arith.minsi %add3A_7, %min3A_8 : i32
    "tpu.region"() ({
      %run_scoped3A = tpu.sem_alloc : memref<!tpu.dma_semaphore, #tpu.memory_space<semaphore_mem>>
      %dma_start3A_36 = tpu.memref_slice %arg3[%min3A_5] : memref<50000xi32, #tpu.memory_space<hbm>> -> memref<784xi32, #tpu.memory_space<hbm>>
      %dma_start3A_37 = tpu.memref_slice %arg3[%min3A_5] : memref<50000xi32, #tpu.memory_space<hbm>> -> memref<784xi32, #tpu.memory_space<hbm>>
      tpu.enqueue_dma source(%dma_start3A_37 : memref<784xi32, #tpu.memory_space<hbm>>) target(%arg5 : memref<784xi32, #tpu.memory_space<vmem>>) target_semaphore(%run_scoped3A : memref<!tpu.dma_semaphore, #tpu.memory_space<semaphore_mem>>)
      %dma_wait3A_38 = tpu.memref_slice %arg3[%min3A_5] : memref<50000xi32, #tpu.memory_space<hbm>> -> memref<784xi32, #tpu.memory_space<hbm>>
      %dma_wait3A_39 = tpu.memref_slice %arg3[%min3A_5] : memref<50000xi32, #tpu.memory_space<hbm>> -> memref<784xi32, #tpu.memory_space<hbm>>
      tpu.wait_dma2 semaphore(%run_scoped3A : memref<!tpu.dma_semaphore, #tpu.memory_space<semaphore_mem>>) src(%dma_wait3A_39 : memref<784xi32, #tpu.memory_space<hbm>>) dst(%arg5 : memref<784xi32, #tpu.memory_space<vmem>>)
      tpu.yield
    }) : () -> ()
    %dma_start3A = arith.constant 0 : i32
    %dma_start3A_10 = arith.constant 0 : i32
    %dma_start3A_11 = tpu.memref_slice %arg2[%dma_start3A, %dma_start3A_10] : memref<100000x64xf32, #tpu.memory_space<hbm>> -> memref<100000x64xf32, #tpu.memory_space<hbm>>
    tpu.enqueue_indirect_dma source(%dma_start3A_11 : memref<100000x64xf32, #tpu.memory_space<hbm>>) target(%arg7 : memref<784x64xf32, #tpu.memory_space<vmem>>) offsets(%arg5 : memref<784xi32, #tpu.memory_space<vmem>>) semaphore(%arg9 : memref<!tpu.dma_semaphore, #tpu.memory_space<semaphore_mem>>)
    "tpu.region"() ({
      %run_scoped3A = tpu.sem_alloc : memref<!tpu.dma_semaphore, #tpu.memory_space<semaphore_mem>>
      %dma_start3A_36 = tpu.memref_slice %arg3[%min3A_9] : memref<50000xi32, #tpu.memory_space<hbm>> -> memref<784xi32, #tpu.memory_space<hbm>>
      %dma_start3A_37 = tpu.memref_slice %arg3[%min3A_9] : memref<50000xi32, #tpu.memory_space<hbm>> -> memref<784xi32, #tpu.memory_space<hbm>>
      tpu.enqueue_dma source(%dma_start3A_37 : memref<784xi32, #tpu.memory_space<hbm>>) target(%arg6 : memref<784xi32, #tpu.memory_space<vmem>>) target_semaphore(%run_scoped3A : memref<!tpu.dma_semaphore, #tpu.memory_space<semaphore_mem>>)
      %dma_wait3A_38 = tpu.memref_slice %arg3[%min3A_9] : memref<50000xi32, #tpu.memory_space<hbm>> -> memref<784xi32, #tpu.memory_space<hbm>>
      %dma_wait3A_39 = tpu.memref_slice %arg3[%min3A_9] : memref<50000xi32, #tpu.memory_space<hbm>> -> memref<784xi32, #tpu.memory_space<hbm>>
      tpu.wait_dma2 semaphore(%run_scoped3A : memref<!tpu.dma_semaphore, #tpu.memory_space<semaphore_mem>>) src(%dma_wait3A_39 : memref<784xi32, #tpu.memory_space<hbm>>) dst(%arg6 : memref<784xi32, #tpu.memory_space<vmem>>)
      tpu.yield
    }) : () -> ()
    %dma_start3A_12 = arith.constant 0 : i32
    %dma_start3A_13 = arith.constant 0 : i32
    %dma_start3A_14 = tpu.memref_slice %arg2[%dma_start3A_12, %dma_start3A_13] : memref<100000x64xf32, #tpu.memory_space<hbm>> -> memref<100000x64xf32, #tpu.memory_space<hbm>>
    tpu.enqueue_indirect_dma source(%dma_start3A_14 : memref<100000x64xf32, #tpu.memory_space<hbm>>) target(%arg8 : memref<784x64xf32, #tpu.memory_space<vmem>>) offsets(%arg6 : memref<784xi32, #tpu.memory_space<vmem>>) semaphore(%arg10 : memref<!tpu.dma_semaphore, #tpu.memory_space<semaphore_mem>>)
    %dma_wait3A = arith.constant 0 : i32
    %dma_wait3A_15 = arith.constant 0 : i32
    %dma_wait3A_16 = tpu.memref_slice %arg2[%dma_wait3A, %dma_wait3A_15] : memref<100000x64xf32, #tpu.memory_space<hbm>> -> memref<100000x64xf32, #tpu.memory_space<hbm>>
    tpu.wait_indirect_dma semaphore(%arg9 : memref<!tpu.dma_semaphore, #tpu.memory_space<semaphore_mem>>) src(%dma_wait3A_16 : memref<100000x64xf32, #tpu.memory_space<hbm>>) dst(%arg7 : memref<784x64xf32, #tpu.memory_space<vmem>>)
    %dma_start3A_17 = arith.constant 0 : i32
    %dma_start3A_18 = tpu.memref_slice %arg4[%min3A_5, %dma_start3A_17] : memref<50000x128xf32, #tpu.memory_space<hbm>> -> memref<784x64xf32, #tpu.memory_space<hbm>>
    %dma_start3A_19 = arith.constant 0 : i32
    %dma_start3A_20 = tpu.memref_slice %arg4[%min3A_5, %dma_start3A_19] : memref<50000x128xf32, #tpu.memory_space<hbm>> -> memref<784x64xf32, #tpu.memory_space<hbm>>
    tpu.enqueue_dma source(%arg7 : memref<784x64xf32, #tpu.memory_space<vmem>>) target(%dma_start3A_20 : memref<784x64xf32, #tpu.memory_space<hbm>>) target_semaphore(%arg11 : memref<!tpu.dma_semaphore, #tpu.memory_space<semaphore_mem>>)
    %dma_wait3A_21 = arith.constant 0 : i32
    %dma_wait3A_22 = arith.constant 0 : i32
    %dma_wait3A_23 = tpu.memref_slice %arg2[%dma_wait3A_21, %dma_wait3A_22] : memref<100000x64xf32, #tpu.memory_space<hbm>> -> memref<100000x64xf32, #tpu.memory_space<hbm>>
    tpu.wait_indirect_dma semaphore(%arg10 : memref<!tpu.dma_semaphore, #tpu.memory_space<semaphore_mem>>) src(%dma_wait3A_23 : memref<100000x64xf32, #tpu.memory_space<hbm>>) dst(%arg8 : memref<784x64xf32, #tpu.memory_space<vmem>>)
    %dma_start3A_24 = arith.constant 0 : i32
    %dma_start3A_25 = tpu.memref_slice %arg4[%min3A_9, %dma_start3A_24] : memref<50000x128xf32, #tpu.memory_space<hbm>> -> memref<784x64xf32, #tpu.memory_space<hbm>>
    %dma_start3A_26 = arith.constant 0 : i32
    %dma_start3A_27 = tpu.memref_slice %arg4[%min3A_9, %dma_start3A_26] : memref<50000x128xf32, #tpu.memory_space<hbm>> -> memref<784x64xf32, #tpu.memory_space<hbm>>
    tpu.enqueue_dma source(%arg8 : memref<784x64xf32, #tpu.memory_space<vmem>>) target(%dma_start3A_27 : memref<784x64xf32, #tpu.memory_space<hbm>>) target_semaphore(%arg12 : memref<!tpu.dma_semaphore, #tpu.memory_space<semaphore_mem>>)
    %dma_wait3A_28 = arith.constant 0 : i32
    %dma_wait3A_29 = tpu.memref_slice %arg4[%min3A_5, %dma_wait3A_28] : memref<50000x128xf32, #tpu.memory_space<hbm>> -> memref<784x64xf32, #tpu.memory_space<hbm>>
    %dma_wait3A_30 = arith.constant 0 : i32
    %dma_wait3A_31 = tpu.memref_slice %arg4[%min3A_5, %dma_wait3A_30] : memref<50000x128xf32, #tpu.memory_space<hbm>> -> memref<784x64xf32, #tpu.memory_space<hbm>>
    tpu.wait_dma2 semaphore(%arg11 : memref<!tpu.dma_semaphore, #tpu.memory_space<semaphore_mem>>) src(%arg7 : memref<784x64xf32, #tpu.memory_space<vmem>>) dst(%dma_wait3A_31 : memref<784x64xf32, #tpu.memory_space<hbm>>)
    %dma_wait3A_32 = arith.constant 0 : i32
    %dma_wait3A_33 = tpu.memref_slice %arg4[%min3A_9, %dma_wait3A_32] : memref<50000x128xf32, #tpu.memory_space<hbm>> -> memref<784x64xf32, #tpu.memory_space<hbm>>
    %dma_wait3A_34 = arith.constant 0 : i32
    %dma_wait3A_35 = tpu.memref_slice %arg4[%min3A_9, %dma_wait3A_34] : memref<50000x128xf32, #tpu.memory_space<hbm>> -> memref<784x64xf32, #tpu.memory_space<hbm>>
    tpu.wait_dma2 semaphore(%arg12 : memref<!tpu.dma_semaphore, #tpu.memory_space<semaphore_mem>>) src(%arg8 : memref<784x64xf32, #tpu.memory_space<vmem>>) dst(%dma_wait3A_35 : memref<784x64xf32, #tpu.memory_space<hbm>>)
    return
  }
}

</mosaic_0001>

<sc_bundles>
// kernel: kernel.11.cloned.1.call-start
scs
__scs_entry_jumppad:
0x0: {  	(pc) =	sbr.rel $0x88, $3  }
0x1: {  	(tag) =	ssettag $0x0;
	lr =	simm.s32 $0x1  }
0x2: {  	[smem:$0x3F9B] =	sst lr;
	_ =	strace $0xD0000000  }
0x3: {  	_ = 	snop  }
0x4: {  	_ = 	snop  }
0x5: {  	_ = 	snop  }
0x6: {  	_ = 	snop  }
0x7: {  	_ = 	snop  }
__scs_overlays_trampoline_lowered:
0x8: {  	[smem:$0x3FAA] =	sst s0  }
0x9: {  	[smem:$0x3FAB] =	sst s1  }
0xa: {  	[smem:$0x3FAC] =	sst s2  }
0xb: {  	[smem:$0x3FAD] =	sst s3  }
0xc: {  	[smem:$0x3FAE] =	sst s4  }
0xd: {  	[smem:$0x3FAF] =	sst s5  }
0xe: {  	[smem:$0x3FB0] =	sst s6  }
0xf: {  	[smem:$0x3FB1] =	sst s7  }
0x10: {  	[smem:$0x3FB2] =	sst s8  }
0x11: {  	[smem:$0x3FB3] =	sst s9;
	s0 =	simm.s32 @!p0 $0x0  }
0x12: {  	s1 =	sld [smem:$0x3F99];
	s0 =	simm.s32 @p0 $0x1  }
0x13: {  	[smem:$0x3FB4] =	sst s0;
	s0 =	simm.s32 @!p1 $0x0  }
0x14: {  	s2 =	sld [smem:$0x3F98];
	s0 =	simm.s32 @p1 $0x1  }
0x15: {  	[smem:$0x3FB5] =	sst s0;
	s0 =	simm.s32 @!p2 $0x0  }
0x16: {  	s3 =	sld [smem:$0x3FDB];
	s0 =	simm.s32 @p2 $0x1  }
0x17: {  	s4 =	simm.s32 $0x1BF5;
	[smem:$0x3FB7] =	sst s0  }
0x18: {  	s0 =	sld [smem:$0x3F9A];
	_ =	swait.ge [sflag:s4], $0x0  }
0x19: {  	s7 =	sld [smem:$0x3F9B]  }
0x1a: {  	s8 =	sadd.s32 $0xFFFFE003, lr  }
0x1b: {  	s9 =	sadd.s32 $0xFFFFFEF7, lr;
	s5 =	simm.s32 $0xFFFFFFFF;
	p2 =	slt.u32 s8, $0xFFFFF086  }
0x1c: {  	p1 =	slt.u32 s9, $0xF7A;
	s5 =	simm.s32 @!p2 $0x0  }
0x1d: {  	s5 =	simm.s32 @p1 $0x1;
	p0 =	seq.s32 s7, s2  }
0x1e: {  	s7 =	smul.u32 @!p0 $0xF7A, s2;
	p2 =	seq.s32 @!p0 s5, $0x0  }
0x1f: {  	s9 =	smul.u32 $0xF7A, s1;
	s8 =	simm.s32 @!p0 $0x1BF5;
	p2 =	por !p2, p0  }
0x20: {  	[sflag:s8] =	ssyncset.s32 @!p0 $0xFFFFF086;
	s6 =	sadd.s32 @!p0 s3, s7;
	s7 =	simm.s32 @!p0 $0x108  }
0x21: {  	s3 =	sadd.s32 s3, s9;
	s6 =	sadd.s32 @!p0 $0x88, s6;
	s7 =	simm.s32 @p2 $0x1082  }
0x22: {  	[simem:s7], [sflag:s8] =	dma.local @!p0 [hbm:s6], $0xF7A  }
0x23: {  	s9 =	sor.u32 $0xD0000000, s2;
	s6 =	simm.s32 $0x108;
	_ =	swait.ge @!p0 [sflag:s8], $0x0  }
0x24: {  	s3 =	sadd.s32 $0x88, s3;
	s6 =	simm.s32 @!p1 $0x1082;
	[sflag:s4] =	ssyncset.s32 $0xFFFFF086  }
0x25: {  	[simem:s6], [sflag:s4] =	dma.local [hbm:s3], $0xF7A  }
0x26: {  	[smem:$0x3F9B] =	sst s1;
	(tag) =	ssettag s2;
	_ =	strace s9  }
0x27: {  	s1 =	sld [smem:$0x3FAB]  }
0x28: {  	s2 =	sld [smem:$0x3FAC]  }
0x29: {  	s4 =	sld [smem:$0x3FAE]  }
0x2a: {  	p0 =	seq.s32 s5, $0x0;
	s5 =	sld [smem:$0x3FAF]  }
0x2b: {  	s6 =	sld [smem:$0x3FB0]  }
0x2c: {  	s7 =	sld [smem:$0x3FB1]  }
0x2d: {  	s3 =	simm.s32 $0x108;
	s8 =	sld [smem:$0x3FB2]  }
0x2e: {  	s3 =	simm.s32 @!p0 $0x1082;
	s9 =	sld [smem:$0x3FB3]  }
0x2f: {  	lr =	sadd.s32 s0, s3;
	s0 =	sld [smem:$0x3FAA]  }
0x30: {  	s3 =	sld [smem:$0x3FAD]  }
0x31: {  	[smem:$0x3FB6] =	sst s10  }
0x32: {  	s10 =	sld [smem:$0x3FB4];
	_ =	sdelay $0x3  }
0x33: {  	p0 =	seq.s32 s10, $0x1;
	s10 =	sld [smem:$0x3FB6];
	_ =	sdelay $0x3  }
0x34: {  	[smem:$0x3FB6] =	sst s10  }
0x35: {  	s10 =	sld [smem:$0x3FB5];
	_ =	sdelay $0x3  }
0x36: {  	p1 =	seq.s32 s10, $0x1;
	s10 =	sld [smem:$0x3FB6];
	_ =	sdelay $0x3  }
0x37: {  	[smem:$0x3FB6] =	sst s10  }
0x38: {  	s10 =	sld [smem:$0x3FB7]  }
0x39: {  	_ = 	snop;
	(pc) =	sbr.ind lr, $3  }
0x3a: {  	_ = 	snop  }
0x3b: {  	_ = 	snop  }
0x3c: {  	p2 =	seq.s32 s10, $0x1;
	s10 =	sld [smem:$0x3FB6]  }
0x3d: {  	_ =	shalt  }
0x3e: {  	_ =	shalt  }
0x3f: {  	_ =	shalt  }
0x40: {  	_ =	shalt  }
0x41: {  	_ =	shalt  }
0x42: {  	_ =	shalt  }
0x43: {  	_ =	shalt  }
0x44: {  	_ =	shalt  }
0x45: {  	_ =	shalt  }
0x46: {  	_ =	shalt  }
0x47: {  	_ =	shalt  }
0x48: {  	_ =	shalt  }
0x49: {  	_ =	shalt  }
0x4a: {  	_ =	shalt  }
0x4b: {  	_ =	shalt  }
0x4c: {  	_ =	shalt  }
0x4d: {  	_ =	shalt  }
0x4e: {  	_ =	shalt  }
0x4f: {  	_ =	shalt  }
0x50: {  	_ =	shalt  }
0x51: {  	_ =	shalt  }
0x52: {  	_ =	shalt  }
0x53: {  	_ =	shalt  }
0x54: {  	_ =	shalt  }
0x55: {  	_ =	shalt  }
0x56: {  	_ =	shalt  }
0x57: {  	_ =	shalt  }
0x58: {  	_ =	shalt  }
0x59: {  	_ =	shalt  }
0x5a: {  	_ =	shalt  }
0x5b: {  	_ =	shalt  }
0x5c: {  	_ =	shalt  }
0x5d: {  	_ =	shalt  }
0x5e: {  	_ =	shalt  }
0x5f: {  	_ =	shalt  }
0x60: {  	_ =	shalt  }
0x61: {  	_ =	shalt  }
0x62: {  	_ =	shalt  }
0x63: {  	_ =	shalt  }
0x64: {  	_ =	shalt  }
0x65: {  	_ =	shalt  }
0x66: {  	_ =	shalt  }
0x67: {  	_ =	shalt  }
0x68: {  	_ =	shalt  }
0x69: {  	_ =	shalt  }
0x6a: {  	_ =	shalt  }
0x6b: {  	_ =	shalt  }
0x6c: {  	_ =	shalt  }
0x6d: {  	_ =	shalt  }
0x6e: {  	_ =	shalt  }
0x6f: {  	_ =	shalt  }
0x70: {  	_ =	shalt  }
0x71: {  	_ =	shalt  }
0x72: {  	_ =	shalt  }
0x73: {  	_ =	shalt  }
0x74: {  	_ =	shalt  }
0x75: {  	_ =	shalt  }
0x76: {  	_ =	shalt  }
0x77: {  	_ =	shalt  }
0x78: {  	_ =	shalt  }
0x79: {  	_ =	shalt  }
0x7a: {  	_ =	shalt  }
0x7b: {  	_ =	shalt  }
0x7c: {  	_ =	shalt  }
0x7d: {  	_ =	shalt  }
0x7e: {  	_ =	shalt  }
0x7f: {  	_ =	shalt  }
0x80: {  	_ =	shalt  }
0x81: {  	_ =	shalt  }
0x82: {  	_ =	shalt  }
0x83: {  	_ =	shalt  }
0x84: {  	_ =	shalt  }
0x85: {  	_ =	shalt  }
0x86: {  	_ =	shalt  }
0x87: {  	_ =	shalt  }
.Lfunc_end0:
.L_simem_size_0:
called_computation.2_lowered:
.L_overlay_start_0:
0x88: {  	s2 =	sld [smem:$0x3FD9]  }
0x89: {  	s3 =	sld [smem:$0x3FFE];
	_ =	sdelay $0x1  }
0x8a: {  	s1 =	srdreg.scid  }
0x8b: {  	s0 =	sand.u32 $0x1, s1  }
0x8c: {  	s17 =	sshll.u32 s0, $0xA;
	s2 =	sadd.s32 s3, s2  }
0x8d: {  	s2 =	sadd.s32 s2, s17  }
0x8e: {  	[smem:$0x3FC2] =	sst s2  }
0x8f: {  	_ = 	snop  }
0x90: {  	s18 =	sld [smem:$0x3FC4];
	(tm) =	ssettm $0x1  }
0x91: {  	s19 =	sld [smem:$0x3FFB];
	_ =	sdelay $0x3  }
0x92: {  	_ =	strace s19  }
0x93: {  	s2 =	sld [smem:$0x3FFC];
	_ =	sdelay $0x3  }
0x94: {  	_ =	strace s2  }
0x95: {  	s2 =	sld [smem:$0x3FFD];
	_ =	sdelay $0x3  }
0x96: {  	_ =	strace s2  }
0x97: {  	_ =	strace $0x8FFFFFFF  }
0x98: {  	s20 =	sld [smem:$0x3FDB];
	_ =	sdelay $0x1  }
0x99: {  	s4 =	simm.s32 $_scs_section_size  }
0x9a: {  	s5 =	simm.s32 $_size__tile_overlayer_lowered;
	s6 =	simm.s32 $_tile_overlayer_lowered  }
0x9b: {  	s7 =	simm.s32 $0x1BFF;
	s21 =	sshll.u32 s6, $0x1;
	s4 =	sadd.s32 s4, s20  }
0x9c: {  	s22 =	simm.s32 $0x0;
	s5 =	sshll.u32 s5, $0x1;
	s6 =	sadd.s32 s21, s4  }
0x9d: {  	[timem:s22], [sflag:s7] =	dma.local [hbm:s6], s5  }
0x9e: {  	_ =	swait.ge [sflag:s7], s5  }
0x9f: {  	s5 =	ssub.s32 $0x0, s5;
	[sflag:s7] =	ssyncset.done $0x0  }
0xa0: {  	[sflag:s7] =	ssyncadd.s32 s5;
	_ =	sdelay $0x1  }
0xa1: {  	s23 =	simm.s32 $0x1B8B  }
0xa2: {  	_ =	swait.ge [sflag:s23], $0x1  }
0xa3: {  	[sflag:s23] =	ssyncset.done $0x0  }
0xa4: {  	[sflag:s23] =	ssyncadd.s32 $0xFFFFFFFF  }
0xa5: {  	s5 =	sld [smem:$0x0]  }
0xa6: {  	s6 =	sand.u32 $0xFFFFFFFE, s1  }
0xa7: {  	p0 =	sne.s32 s1, s6  }
0xa8: {  	s6 =	sshll.u32 @p0 s6, $0xE  }
0xa9: {  	s6 =	sadd.s32 @p0 $0x11B8D, s6;
	s7 =	sshll.u32 @p0 s5, $0x11  }
0xaa: {  	s6 =	sor.u32 @p0 s7, s6  }
0xab: {  	[sflag:s6] =	ssyncadd.remote.s32 @p0 $0x1;
	_ =	sdelay $0x1  }
0xac: {  	s6 =	simm.s32 @p0 $0x1B8D  }
0xad: {  	_ =	swait.eq @p0 [sflag:s6], $0x1  }
0xae: {  	[sflag:s6] =	ssyncadd.s32 @p0 $0xFFFFFFFF  }
0xaf: {  	s7 =	sshll.u32 @!p0 s1, $0xE  }
0xb0: {  	s7 =	sor.u32 @!p0 $0x4000, s7;
	s6 =	simm.s32 @!p0 $0x1B8D  }
0xb1: {  	s5 =	sshll.u32 @!p0 s5, $0x11;
	s7 =	sadd.s32 @!p0 $0x11B8D, s7;
	_ =	swait.eq @!p0 [sflag:s6], $0x1  }
0xb2: {  	s5 =	sor.u32 @!p0 s5, s7;
	[sflag:s6] =	ssyncadd.s32 @!p0 $0xFFFFFFFF  }
0xb3: {  	s25 =	simm.s32 $0x1B8E;
	s24 =	sld [smem:$0x3FFE];
	[sflag:s5] =	ssyncadd.remote.s32 @!p0 $0x1  }
0xb4: {  	s26 =	simm.s32 $execute0_lowered;
	[smem:$0x3FD2] =	sst s25  }
0xb5: {  	s6 =	sshll.u32 s26, $0x1;
	_ =	strace $0x8000004C;
	[dreg:$0x1] =	wrdreg $0xFFFFFFFF  }
0xb6: {  	s28 =	simm.s32 $_size_execute0_lowered;
	s4 =	sadd.s32 s4, s6;
	[dreg:$0x0] =	wrdreg $0x0  }
0xb7: {  	s6 =	sshll.u32 s28, $0x1;
	[dreg:$0x2] =	wrdreg s4  }
0xb8: {  	[dreg:$0x3] =	wrdreg s6  }
0xb9: {  	[dreg:$0x4] =	wrdreg $0xC0  }
0xba: {  	_ =	task [dreg:s22], $0x5FFFF  }
0xbb: {  	[dreg:$0x1] =	wrdreg $0xFFFFFFFF  }
0xbc: {  	[dreg:$0x0] =	wrdreg $0x60  }
0xbd: {  	[dreg:$0x2] =	wrdreg s24  }
0xbe: {  	[dreg:$0x3] =	wrdreg s18  }
0xbf: {  	[dreg:$0x4] =	wrdreg $0xB  }
0xc0: {  	_ =	task.clear_ibuf [dreg:s22], $0x5FFFF;
	_ =	strace $0x9000004C  }
0xc1: {  	s29 =	simm.s32 $0xB;
	_ =	strace $0x8000004E  }
0xc2: {  	_ =	swait.ge [sflag:s29], $0x1  }
0xc3: {  	[sflag:s29] =	ssyncadd.s32 $0xFFFFFFFF  }
0xc4: {  	_ =	strace $0x9000004E  }
0xc5: {  	_ =	sfence  }
0xc6: {  	s30 =	sld [smem:$0x0];
	_ =	sdelay $0x2  }
0xc7: {  	s31 =	sshll.u32 s1, $0xD;
	s1 =	sshrl.u32 s1, $0x2  }
0xc8: {  	s4 =	sand.u32 $0x4000, s31;
	s1 =	sadd.s32 s1, s30  }
0xc9: {  	s0 =	sor.u32 s4, s0;
	s1 =	sshll.u32 s1, $0x11  }
0xca: {  	s0 =	sor.u32 s1, s0  }
0xcb: {  	s0 =	sadd.s32 $0x8F2B, s0  }
0xcc: {  	[sflag:s0] =	ssyncadd.remote.s32 $0x1  }
0xcd: {  	_ =	sfence.sel $0xFFFF  }
0xce: {  	[dreg:$0x0] =	wrdreg $0xFFFFFFFF;
	(pc) =	sbr.abs _section_cstart, $3  }
0xcf: {  	[dreg:$0x1] =	wrdreg $0xFFFFFFFF  }
0xd0: {  	_ =	task.clear_ibuf [dreg:s22], $0x2FFFF;
	_ =	strace $0x9FFFFFFF  }
0xd1: {  	(tm) =	ssettm $0x7FFFFFFF  }
tec
execute0_lowered:
.L_overlay_start_1:
0x0: {  	(tag) =	ssettag $0x1  }
0x1: {  	s1 =	srdreg.scid;
	s0 =	stileid.u32  }
0x2: {  	s6 =	sand.u32 $0x1, s1;
	s31 =	sshll.u32 s0, $0x1  }
0x3: {  	s7 =	rddreg [dreg:$0x0];
	s1 =	sor.u32 s6, s31  }
0x4: {  	s4 =	rddreg [dreg:$0x1];
	s2 =	simm.s32 $0x0;
	s3 =	smul.u32 $0x310, s1  }
0x5: {  	[smem:$0x7FF] =	sst s2  }
0x6: {  	s9 =	ssub.s32 $0x2, s6;
	s6 =	simm.s32 $0x310;
	s8 =	smin.u32 s3, $0x5E98  }
0x7: {  	s1 =	rddreg [dreg:$0x2];
	_ =	strace $0x8000004D;
	s5 =	sshrl.u32 s8, $0x3  }
0x8: {  	s10 =	sshrl.u32 s9, $0x1;
	s4 =	sadd.s32 s4, s5;
	s5 =	simm.s32 $0x3  }
0x9: {  	[tilespmem:s2], [sflag:$0x3] =	stream.linear.gather [hbm4b:s4+s2], $0x310, $0x38;
	[tilespmem:$0xC710] =	vst v63  }
0xa: {  	s9 =	ssub.s32 s9, s10;
	s3 =	sadd.s32 $0xC5E00, s7;
	_ =	swait.ge [sflag:s5], $0x310  }
0xb: {  	s12 =	smax.u32 s9, $0x1;
	s8 =	sshll.u32 s8, $0x4;
	[sflag:s5] =	ssyncset.done $0x0  }
0xc: {  	s8 =	sadd.s32 s8, s7;
	s7 =	simm.s32 $0x1;
	[sflag:s5] =	ssyncadd.s32 $0xFFFFFCF0  }
0xd: {  	[tilespmem:s6], [sflag:$0x1] =	stream.indirect.gather [hbm4b:s3+s6], $0x40, s2, s6, $0xb8;
	[tilespmem:$0xC710] =	vst v63  }
0xe: {  	s11 =	simm.s32 $0x80;
	p0 =	sne.s32 s12, $0x1;
	_ =	swait.ge [sflag:s7], $0xC400  }
.Ltmp0:
0xf: {  	s10 =	simm.s32 $0x2;
	[sflag:s7] =	ssyncset.done $0x0;
	(pc) =	sbr.rel @!p0 .LBB2_2-.Ltmp0, $4  }
0x10: {  	s9 =	simm.s32 $0x40;
	s8 =	sadd.s32 $0x30FE00, s8;
	[sflag:s7] =	ssyncadd.s32 $0xFFFF3C00  }
0x11: {  	[hbm4b:s8+s9] =	stream.strided.scatter [tilespmem:s6], [sflag:$0x2], $0xC400, s11, s9, $0x38;
	[tilespmem:$0xC710] =	vst v63  }
0x12: {  	_ =	swait.ge [sflag:s10], $0xC400  }
0x13: {  	s12 =	sadd.s32 $0xFFFFFFFF, s12;
	[sflag:s10] =	ssyncset.done $0x0  }
.LBB2_1:
0x14: {  	p0 =	sne.s32 s12, $0x1;
	s12 =	sadd.s32 $0xFFFFFFFF, s12;
	[sflag:s10] =	ssyncadd.s32 $0xFFFF3C00  }
0x15: {  	[tilespmem:s2], [sflag:$0x3] =	stream.linear.gather [hbm4b:s4+s2], $0x310, $0x38;
	[tilespmem:$0xC710] =	vst v63  }
0x16: {  	_ =	swait.ge [sflag:s5], $0x310  }
0x17: {  	[sflag:s5] =	ssyncset.done $0x0  }
0x18: {  	[sflag:s5] =	ssyncadd.s32 $0xFFFFFCF0  }
0x19: {  	[tilespmem:s6], [sflag:$0x1] =	stream.indirect.gather [hbm4b:s3+s6], $0x40, s2, s6, $0xb8;
	[tilespmem:$0xC710] =	vst v63  }
0x1a: {  	_ =	swait.ge [sflag:s7], $0xC400  }
.Ltmp1:
0x1b: {  	[sflag:s7] =	ssyncset.done $0x0;
	(pc) =	sbr.rel @p0 .LBB2_1-.Ltmp1, $4  }
0x1c: {  	[sflag:s7] =	ssyncadd.s32 $0xFFFF3C00  }
0x1d: {  	[hbm4b:s8+s9] =	stream.strided.scatter [tilespmem:s6], [sflag:$0x2], $0xC400, s11, s9, $0x38;
	[tilespmem:$0xC710] =	vst v63  }
0x1e: {  	_ =	swait.ge [sflag:s10], $0xC400  }
0x1f: {  	[sflag:s10] =	ssyncset.done $0x0  }
.LBB2_2:
0x20: {  	[sflag:s10] =	ssyncadd.s32 $0xFFFF3C00  }
0x21: {  	_ =	sfence.sel $0x180000  }
0x22: {  	[bflag:$0x0] =	sbarrier.arrive $0xFFFF  }
0x23: {  	p0 =	sne.s32 s0, $0x0;
	_ =	strace $0x9000004D  }
0x24: {  	s0 =	sadd.s32 @!p0 $0x100000, s1;
	[bflag:$0x2] =	sbarrier.arrive $0xFFFF  }
0x25: {  	[sflag:s0] =	ssyncadd.tile.s32 @!p0 $0x1;
	_ =	shalt  }
.Lfunc_end2:
_tile_overlayer_lowered:
.L_overlay_start_2:
0x26: {  	(tag) =	ssettag $0x2  }
0x27: {  	s0 =	rddreg [dreg:$0x0];
	s2 =	stileid.u32  }
0x28: {  	s1 =	rddreg [dreg:$0x1];
	p0 =	sne.s32 s2, $0x0  }
0x29: {  	s3 =	rddreg [dreg:$0x2];
	[bflag:$0x3] =	sbarrier.arrive $0xFFFF;
	s2 =	simm.s32 @!p0 $0x1C03  }
0x2a: {  	[timem:s3], [sflag:s2] =	dma.local @!p0 [hbm:s0], s1  }
0x2b: {  	s0 =	simm.s32 @!p0 $0x3  }
0x2c: {  	_ =	swait.ge @!p0 [sflag:s0], s1  }
0x2d: {  	s1 =	ssub.s32 @!p0 $0x0, s1;
	[sflag:s0] =	ssyncset.done @!p0 $0x0  }
0x2e: {  	[sflag:s0] =	ssyncadd.s32 @!p0 s1  }
0x2f: {  	[bflag:$0x3] =	sbarrier.arrive $0xFFFF  }
0x30: {  	_ =	shalt  }

// kernel: kernel.5.cloned.1.call-start
scs
__scs_entry_jumppad:
0x0: {  	(pc) =	sbr.rel $0x88, $3  }
0x1: {  	(tag) =	ssettag $0x0;
	lr =	simm.s32 $0x1  }
0x2: {  	[smem:$0x3F9B] =	sst lr;
	_ =	strace $0xD0000000  }
0x3: {  	_ = 	snop  }
0x4: {  	_ = 	snop  }
0x5: {  	_ = 	snop  }
0x6: {  	_ = 	snop  }
0x7: {  	_ = 	snop  }
__scs_overlays_trampoline_lowered:
0x8: {  	[smem:$0x3FAA] =	sst s0  }
0x9: {  	[smem:$0x3FAB] =	sst s1  }
0xa: {  	[smem:$0x3FAC] =	sst s2  }
0xb: {  	[smem:$0x3FAD] =	sst s3  }
0xc: {  	[smem:$0x3FAE] =	sst s4  }
0xd: {  	[smem:$0x3FAF] =	sst s5  }
0xe: {  	[smem:$0x3FB0] =	sst s6  }
0xf: {  	[smem:$0x3FB1] =	sst s7  }
0x10: {  	[smem:$0x3FB2] =	sst s8  }
0x11: {  	[smem:$0x3FB3] =	sst s9;
	s0 =	simm.s32 @!p0 $0x0  }
0x12: {  	s1 =	sld [smem:$0x3F99];
	s0 =	simm.s32 @p0 $0x1  }
0x13: {  	[smem:$0x3FB4] =	sst s0;
	s0 =	simm.s32 @!p1 $0x0  }
0x14: {  	s2 =	sld [smem:$0x3F98];
	s0 =	simm.s32 @p1 $0x1  }
0x15: {  	[smem:$0x3FB5] =	sst s0;
	s0 =	simm.s32 @!p2 $0x0  }
0x16: {  	s3 =	sld [smem:$0x3FDB];
	s0 =	simm.s32 @p2 $0x1  }
0x17: {  	s4 =	simm.s32 $0x1BF5;
	[smem:$0x3FB7] =	sst s0  }
0x18: {  	s0 =	sld [smem:$0x3F9A];
	_ =	swait.ge [sflag:s4], $0x0  }
0x19: {  	s7 =	sld [smem:$0x3F9B]  }
0x1a: {  	s8 =	sadd.s32 $0xFFFFE003, lr  }
0x1b: {  	s9 =	sadd.s32 $0xFFFFFEF7, lr;
	s5 =	simm.s32 $0xFFFFFFFF;
	p2 =	slt.u32 s8, $0xFFFFF086  }
0x1c: {  	p1 =	slt.u32 s9, $0xF7A;
	s5 =	simm.s32 @!p2 $0x0  }
0x1d: {  	s5 =	simm.s32 @p1 $0x1;
	p0 =	seq.s32 s7, s2  }
0x1e: {  	s7 =	smul.u32 @!p0 $0xF7A, s2;
	p2 =	seq.s32 @!p0 s5, $0x0  }
0x1f: {  	s9 =	smul.u32 $0xF7A, s1;
	s8 =	simm.s32 @!p0 $0x1BF5;
	p2 =	por !p2, p0  }
0x20: {  	[sflag:s8] =	ssyncset.s32 @!p0 $0xFFFFF086;
	s6 =	sadd.s32 @!p0 s3, s7;
	s7 =	simm.s32 @!p0 $0x108  }
0x21: {  	s3 =	sadd.s32 s3, s9;
	s6 =	sadd.s32 @!p0 $0x88, s6;
	s7 =	simm.s32 @p2 $0x1082  }
0x22: {  	[simem:s7], [sflag:s8] =	dma.local @!p0 [hbm:s6], $0xF7A  }
0x23: {  	s9 =	sor.u32 $0xD0000000, s2;
	s6 =	simm.s32 $0x108;
	_ =	swait.ge @!p0 [sflag:s8], $0x0  }
0x24: {  	s3 =	sadd.s32 $0x88, s3;
	s6 =	simm.s32 @!p1 $0x1082;
	[sflag:s4] =	ssyncset.s32 $0xFFFFF086  }
0x25: {  	[simem:s6], [sflag:s4] =	dma.local [hbm:s3], $0xF7A  }
0x26: {  	[smem:$0x3F9B] =	sst s1;
	(tag) =	ssettag s2;
	_ =	strace s9  }
0x27: {  	s1 =	sld [smem:$0x3FAB]  }
0x28: {  	s2 =	sld [smem:$0x3FAC]  }
0x29: {  	s4 =	sld [smem:$0x3FAE]  }
0x2a: {  	p0 =	seq.s32 s5, $0x0;
	s5 =	sld [smem:$0x3FAF]  }
0x2b: {  	s6 =	sld [smem:$0x3FB0]  }
0x2c: {  	s7 =	sld [smem:$0x3FB1]  }
0x2d: {  	s3 =	simm.s32 $0x108;
	s8 =	sld [smem:$0x3FB2]  }
0x2e: {  	s3 =	simm.s32 @!p0 $0x1082;
	s9 =	sld [smem:$0x3FB3]  }
0x2f: {  	lr =	sadd.s32 s0, s3;
	s0 =	sld [smem:$0x3FAA]  }
0x30: {  	s3 =	sld [smem:$0x3FAD]  }
0x31: {  	[smem:$0x3FB6] =	sst s10  }
0x32: {  	s10 =	sld [smem:$0x3FB4];
	_ =	sdelay $0x3  }
0x33: {  	p0 =	seq.s32 s10, $0x1;
	s10 =	sld [smem:$0x3FB6];
	_ =	sdelay $0x3  }
0x34: {  	[smem:$0x3FB6] =	sst s10  }
0x35: {  	s10 =	sld [smem:$0x3FB5];
	_ =	sdelay $0x3  }
0x36: {  	p1 =	seq.s32 s10, $0x1;
	s10 =	sld [smem:$0x3FB6];
	_ =	sdelay $0x3  }
0x37: {  	[smem:$0x3FB6] =	sst s10  }
0x38: {  	s10 =	sld [smem:$0x3FB7]  }
0x39: {  	_ = 	snop;
	(pc) =	sbr.ind lr, $3  }
0x3a: {  	_ = 	snop  }
0x3b: {  	_ = 	snop  }
0x3c: {  	p2 =	seq.s32 s10, $0x1;
	s10 =	sld [smem:$0x3FB6]  }
0x3d: {  	_ =	shalt  }
0x3e: {  	_ =	shalt  }
0x3f: {  	_ =	shalt  }
0x40: {  	_ =	shalt  }
0x41: {  	_ =	shalt  }
0x42: {  	_ =	shalt  }
0x43: {  	_ =	shalt  }
0x44: {  	_ =	shalt  }
0x45: {  	_ =	shalt  }
0x46: {  	_ =	shalt  }
0x47: {  	_ =	shalt  }
0x48: {  	_ =	shalt  }
0x49: {  	_ =	shalt  }
0x4a: {  	_ =	shalt  }
0x4b: {  	_ =	shalt  }
0x4c: {  	_ =	shalt  }
0x4d: {  	_ =	shalt  }
0x4e: {  	_ =	shalt  }
0x4f: {  	_ =	shalt  }
0x50: {  	_ =	shalt  }
0x51: {  	_ =	shalt  }
0x52: {  	_ =	shalt  }
0x53: {  	_ =	shalt  }
0x54: {  	_ =	shalt  }
0x55: {  	_ =	shalt  }
0x56: {  	_ =	shalt  }
0x57: {  	_ =	shalt  }
0x58: {  	_ =	shalt  }
0x59: {  	_ =	shalt  }
0x5a: {  	_ =	shalt  }
0x5b: {  	_ =	shalt  }
0x5c: {  	_ =	shalt  }
0x5d: {  	_ =	shalt  }
0x5e: {  	_ =	shalt  }
0x5f: {  	_ =	shalt  }
0x60: {  	_ =	shalt  }
0x61: {  	_ =	shalt  }
0x62: {  	_ =	shalt  }
0x63: {  	_ =	shalt  }
0x64: {  	_ =	shalt  }
0x65: {  	_ =	shalt  }
0x66: {  	_ =	shalt  }
0x67: {  	_ =	shalt  }
0x68: {  	_ =	shalt  }
0x69: {  	_ =	shalt  }
0x6a: {  	_ =	shalt  }
0x6b: {  	_ =	shalt  }
0x6c: {  	_ =	shalt  }
0x6d: {  	_ =	shalt  }
0x6e: {  	_ =	shalt  }
0x6f: {  	_ =	shalt  }
0x70: {  	_ =	shalt  }
0x71: {  	_ =	shalt  }
0x72: {  	_ =	shalt  }
0x73: {  	_ =	shalt  }
0x74: {  	_ =	shalt  }
0x75: {  	_ =	shalt  }
0x76: {  	_ =	shalt  }
0x77: {  	_ =	shalt  }
0x78: {  	_ =	shalt  }
0x79: {  	_ =	shalt  }
0x7a: {  	_ =	shalt  }
0x7b: {  	_ =	shalt  }
0x7c: {  	_ =	shalt  }
0x7d: {  	_ =	shalt  }
0x7e: {  	_ =	shalt  }
0x7f: {  	_ =	shalt  }
0x80: {  	_ =	shalt  }
0x81: {  	_ =	shalt  }
0x82: {  	_ =	shalt  }
0x83: {  	_ =	shalt  }
0x84: {  	_ =	shalt  }
0x85: {  	_ =	shalt  }
0x86: {  	_ =	shalt  }
0x87: {  	_ =	shalt  }
.Lfunc_end0:
.L_simem_size_0:
called_computation_lowered:
.L_overlay_start_0:
0x88: {  	s2 =	sld [smem:$0x3FD9]  }
0x89: {  	s3 =	sld [smem:$0x3FFE];
	_ =	sdelay $0x1  }
0x8a: {  	s1 =	srdreg.scid  }
0x8b: {  	s0 =	sand.u32 $0x1, s1  }
0x8c: {  	s17 =	sshll.u32 s0, $0xA;
	s2 =	sadd.s32 s3, s2  }
0x8d: {  	s2 =	sadd.s32 s2, s17  }
0x8e: {  	[smem:$0x3FC2] =	sst s2  }
0x8f: {  	_ = 	snop  }
0x90: {  	s2 =	sld [smem:$0x3FC6];
	(tm) =	ssettm $0x1  }
0x91: {  	s18 =	sld [smem:$0x3FFB];
	_ =	sdelay $0x3  }
0x92: {  	_ =	strace s18  }
0x93: {  	s3 =	sld [smem:$0x3FFC];
	_ =	sdelay $0x3  }
0x94: {  	_ =	strace s3  }
0x95: {  	s3 =	sld [smem:$0x3FFD];
	_ =	sdelay $0x3  }
0x96: {  	_ =	strace s3  }
0x97: {  	_ =	strace $0x8FFFFFFF  }
0x98: {  	s19 =	sld [smem:$0x3FDB];
	_ =	sdelay $0x1  }
0x99: {  	s4 =	simm.s32 $_scs_section_size  }
0x9a: {  	s5 =	simm.s32 $_size__tile_overlayer_lowered;
	s6 =	simm.s32 $_tile_overlayer_lowered  }
0x9b: {  	s22 =	simm.s32 $0x1BFF;
	s21 =	sshll.u32 s6, $0x1;
	s3 =	sadd.s32 s4, s19  }
0x9c: {  	s7 =	simm.s32 $0x0;
	s20 =	sshll.u32 s5, $0x1;
	s5 =	sadd.s32 s21, s3  }
0x9d: {  	[timem:s7], [sflag:s22] =	dma.local [hbm:s5], s20  }
0x9e: {  	_ =	swait.ge [sflag:s22], s20  }
0x9f: {  	s4 =	ssub.s32 $0x0, s20;
	[sflag:s22] =	ssyncset.done $0x0  }
0xa0: {  	[sflag:s22] =	ssyncadd.s32 s4;
	_ =	sdelay $0x1  }
0xa1: {  	s23 =	simm.s32 $0x1B8B  }
0xa2: {  	_ =	swait.ge [sflag:s23], $0x1  }
0xa3: {  	[sflag:s23] =	ssyncset.done $0x0  }
0xa4: {  	s25 =	simm.s32 $0x1B8E;
	s24 =	sld [smem:$0x3FFE];
	[sflag:s23] =	ssyncadd.s32 $0xFFFFFFFF  }
0xa5: {  	s26 =	simm.s32 $execute0_lowered;
	[smem:$0x3FD2] =	sst s25  }
0xa6: {  	s5 =	sshll.u32 s26, $0x1;
	_ =	strace $0x80000046;
	[dreg:$0x1] =	wrdreg $0xFFFFFFFF  }
0xa7: {  	s28 =	simm.s32 $_size_execute0_lowered;
	s3 =	sadd.s32 s3, s5;
	[dreg:$0x0] =	wrdreg $0x0  }
0xa8: {  	s5 =	sshll.u32 s28, $0x1;
	[dreg:$0x2] =	wrdreg s3  }
0xa9: {  	[dreg:$0x3] =	wrdreg s5  }
0xaa: {  	[dreg:$0x4] =	wrdreg $0xC0  }
0xab: {  	_ =	task [dreg:s7], $0x5FFFF  }
0xac: {  	[dreg:$0x1] =	wrdreg $0xFFFFFFFF  }
0xad: {  	[dreg:$0x0] =	wrdreg $0x60  }
0xae: {  	[dreg:$0x2] =	wrdreg s24  }
0xaf: {  	[dreg:$0x3] =	wrdreg s2  }
0xb0: {  	[dreg:$0x4] =	wrdreg $0x9  }
0xb1: {  	_ =	task.clear_ibuf [dreg:s7], $0x5FFFF;
	_ =	strace $0x90000046  }
0xb2: {  	s29 =	simm.s32 $0x9;
	_ =	strace $0x80000048  }
0xb3: {  	_ =	swait.ge [sflag:s29], $0x1  }
0xb4: {  	[sflag:s29] =	ssyncadd.s32 $0xFFFFFFFF  }
0xb5: {  	_ =	strace $0x90000048  }
0xb6: {  	_ =	sfence  }
0xb7: {  	s30 =	sld [smem:$0x0];
	_ =	sdelay $0x2  }
0xb8: {  	s31 =	sshll.u32 s1, $0xD;
	s1 =	sshrl.u32 s1, $0x2  }
0xb9: {  	s3 =	sand.u32 $0x4000, s31;
	s1 =	sadd.s32 s1, s30  }
0xba: {  	s0 =	sor.u32 s3, s0;
	s1 =	sshll.u32 s1, $0x11  }
0xbb: {  	s0 =	sor.u32 s1, s0  }
0xbc: {  	s0 =	sadd.s32 $0x8F2B, s0  }
0xbd: {  	[sflag:s0] =	ssyncadd.remote.s32 $0x1  }
0xbe: {  	_ =	sfence.sel $0xFFFF  }
0xbf: {  	[dreg:$0x0] =	wrdreg $0xFFFFFFFF;
	(pc) =	sbr.abs _section_cstart, $3  }
0xc0: {  	[dreg:$0x1] =	wrdreg $0xFFFFFFFF  }
0xc1: {  	_ =	task.clear_ibuf [dreg:s7], $0x2FFFF;
	_ =	strace $0x9FFFFFFF  }
0xc2: {  	(tm) =	ssettm $0x7FFFFFFF  }
0xc3: {  	_ =	shalt  }
tec
execute0_lowered:
.L_overlay_start_1:
0x0: {  	(tag) =	ssettag $0x1  }
0x1: {  	s1 =	srdreg.scid;
	s0 =	stileid.u32  }
0x2: {  	s15 =	sand.u32 $0x1, s1;
	s29 =	sshll.u32 s0, $0x1  }
0x3: {  	s11 =	rddreg [dreg:$0x0];
	s9 =	sor.u32 s15, s29  }
0x4: {  	s8 =	rddreg [dreg:$0x1];
	s2 =	simm.s32 $0x0;
	s3 =	smul.u32 $0x620, s9  }
0x5: {  	[smem:$0x7FF] =	sst s2  }
0x6: {  	s1 =	rddreg [dreg:$0x2];
	_ =	strace $0x80000047;
	s4 =	sshrl.u32 s3, $0x3  }
0x7: {  	s5 =	smin.u32 s3, $0xBD30;
	s3 =	sadd.s32 s8, s4;
	s4 =	simm.s32 $0x5  }
0x8: {  	[tilespmem:s2], [sflag:$0x5] =	stream.linear.gather [hbm4b:s3+s2], $0x310, $0x38;
	[tilespmem:$0x18E20] =	vst v63  }
0x9: {  	s6 =	simm.s32 $0x310;
	_ =	swait.ge [sflag:s4], $0x310  }
0xa: {  	s7 =	simm.s32 $0x620;
	s16 =	sadd.s32 $0x310, s5;
	[sflag:s4] =	ssyncset.done $0x0  }
0xb: {  	s5 =	sadd.s32 $0x189200, s11;
	s10 =	sshrl.u32 s16, $0x3;
	[sflag:s4] =	ssyncadd.s32 $0xFFFFFCF0  }
0xc: {  	[tilespmem:s7], [sflag:$0x1] =	stream.indirect.gather [hbm4b:s5+s6], $0x40, s2, s6, $0xb8;
	[tilespmem:$0x18E20] =	vst v63  }
0xd: {  	s8 =	sadd.s32 s8, s10  }
0xe: {  	[tilespmem:s6], [sflag:$0x5] =	stream.linear.gather [hbm4b:s8+s2], $0x310, $0x38;
	[tilespmem:$0x18E20] =	vst v63  }
0xf: {  	s13 =	simm.s32 $0x80;
	_ =	swait.ge [sflag:s4], $0x310  }
0x10: {  	s14 =	simm.s32 $0x2;
	s12 =	smul.u32 $0x6200, s9;
	[sflag:s4] =	ssyncset.done $0x0  }
0x11: {  	s9 =	simm.s32 $0xCA20;
	s10 =	simm.s32 $0x1;
	[sflag:s4] =	ssyncadd.s32 $0xFFFFFCF0  }
0x12: {  	[tilespmem:s9], [sflag:$0x2] =	stream.indirect.gather [hbm4b:s5+s6], $0x40, s6, s6, $0xb8;
	[tilespmem:$0x18E20] =	vst v63  }
0x13: {  	s17 =	sadd.s32 $0x2800, s11;
	s18 =	ssub.s32 $0x2, s15;
	_ =	swait.ge [sflag:s10], $0xC400  }
0x14: {  	s31 =	sshrl.u32 s18, $0x1;
	s11 =	sadd.s32 s17, s12;
	[sflag:s10] =	ssyncset.done $0x0  }
0x15: {  	s12 =	simm.s32 $0x40;
	s30 =	sshll.u32 s16, $0x4;
	[sflag:s10] =	ssyncadd.s32 $0xFFFF3C00  }
0x16: {  	[hbm4b:s11+s12] =	stream.strided.scatter [tilespmem:s7], [sflag:$0x3], $0xC400, s13, s12, $0x38;
	[tilespmem:$0x18E20] =	vst v63  }
0x17: {  	s15 =	sadd.s32 s17, s30;
	s17 =	ssub.s32 s18, s31;
	_ =	swait.ge [sflag:s14], $0xC400  }
0x18: {  	s18 =	smax.u32 s17, $0x1;
	[sflag:s14] =	ssyncset.done $0x0  }
0x19: {  	s16 =	simm.s32 $0x3;
	p0 =	sne.s32 s18, $0x1;
	[sflag:s14] =	ssyncadd.s32 $0xFFFF3C00  }
0x1a: {  	[hbm4b:s15+s12] =	stream.strided.scatter [tilespmem:s9], [sflag:$0x4], $0xC400, s13, s12, $0x38;
	[tilespmem:$0x18E20] =	vst v63  }
.Ltmp0:
0x1b: {  	_ =	swait.ge [sflag:s16], $0xC400;
	(pc) =	sbr.rel @!p0 .LBB2_2-.Ltmp0, $4  }
0x1c: {  	[sflag:s16] =	ssyncset.done $0x0  }
0x1d: {  	s17 =	simm.s32 $0x4;
	[sflag:s16] =	ssyncadd.s32 $0xFFFF3C00  }
0x1e: {  	_ =	swait.ge [sflag:s17], $0xC400  }
0x1f: {  	s18 =	sadd.s32 $0xFFFFFFFF, s18;
	[sflag:s17] =	ssyncset.done $0x0  }
.LBB2_1:
0x20: {  	p0 =	sne.s32 s18, $0x1;
	s18 =	sadd.s32 $0xFFFFFFFF, s18;
	[sflag:s17] =	ssyncadd.s32 $0xFFFF3C00  }
0x21: {  	[tilespmem:s2], [sflag:$0x5] =	stream.linear.gather [hbm4b:s3+s2], $0x310, $0x38;
	[tilespmem:$0x18E20] =	vst v63  }
0x22: {  	_ =	swait.ge [sflag:s4], $0x310  }
0x23: {  	[sflag:s4] =	ssyncset.done $0x0  }
0x24: {  	[sflag:s4] =	ssyncadd.s32 $0xFFFFFCF0  }
0x25: {  	[tilespmem:s7], [sflag:$0x1] =	stream.indirect.gather [hbm4b:s5+s6], $0x40, s2, s6, $0xb8;
	[tilespmem:$0x18E20] =	vst v63  }
0x26: {  	_ = 	snop  }
0x27: {  	[tilespmem:s6], [sflag:$0x5] =	stream.linear.gather [hbm4b:s8+s2], $0x310, $0x38;
	[tilespmem:$0x18E20] =	vst v63  }
0x28: {  	_ =	swait.ge [sflag:s4], $0x310  }
0x29: {  	[sflag:s4] =	ssyncset.done $0x0  }
0x2a: {  	[sflag:s4] =	ssyncadd.s32 $0xFFFFFCF0  }
0x2b: {  	[tilespmem:s9], [sflag:$0x2] =	stream.indirect.gather [hbm4b:s5+s6], $0x40, s6, s6, $0xb8;
	[tilespmem:$0x18E20] =	vst v63  }
0x2c: {  	_ =	swait.ge [sflag:s10], $0xC400  }
0x2d: {  	[sflag:s10] =	ssyncset.done $0x0  }
0x2e: {  	[sflag:s10] =	ssyncadd.s32 $0xFFFF3C00  }
0x2f: {  	[hbm4b:s11+s12] =	stream.strided.scatter [tilespmem:s7], [sflag:$0x3], $0xC400, s13, s12, $0x38;
	[tilespmem:$0x18E20] =	vst v63  }
0x30: {  	_ =	swait.ge [sflag:s14], $0xC400  }
0x31: {  	[sflag:s14] =	ssyncset.done $0x0  }
0x32: {  	[sflag:s14] =	ssyncadd.s32 $0xFFFF3C00  }
0x33: {  	[hbm4b:s15+s12] =	stream.strided.scatter [tilespmem:s9], [sflag:$0x4], $0xC400, s13, s12, $0x38;
	[tilespmem:$0x18E20] =	vst v63  }
.Ltmp1:
0x34: {  	_ =	swait.ge [sflag:s16], $0xC400;
	(pc) =	sbr.rel @p0 .LBB2_1-.Ltmp1, $4  }
0x35: {  	[sflag:s16] =	ssyncset.done $0x0  }
0x36: {  	[sflag:s16] =	ssyncadd.s32 $0xFFFF3C00  }
0x37: {  	_ =	swait.ge [sflag:s17], $0xC400  }
0x38: {  	[sflag:s17] =	ssyncset.done $0x0  }
.LBB2_2:
0x39: {  	[sflag:s17] =	ssyncadd.s32 $0xFFFF3C00  }
0x3a: {  	_ =	sfence.sel $0x180000  }
0x3b: {  	[bflag:$0x0] =	sbarrier.arrive $0xFFFF  }
0x3c: {  	p0 =	sne.s32 s0, $0x0;
	_ =	strace $0x90000047  }
0x3d: {  	s0 =	sadd.s32 @!p0 $0x100000, s1;
	[bflag:$0x2] =	sbarrier.arrive $0xFFFF  }
0x3e: {  	[sflag:s0] =	ssyncadd.tile.s32 @!p0 $0x1;
	_ =	shalt  }
.Lfunc_end2:
_tile_overlayer_lowered:
.L_overlay_start_2:
0x3f: {  	(tag) =	ssettag $0x2  }
0x40: {  	s0 =	rddreg [dreg:$0x0];
	s2 =	stileid.u32  }
0x41: {  	s1 =	rddreg [dreg:$0x1];
	p0 =	sne.s32 s2, $0x0  }
0x42: {  	s3 =	rddreg [dreg:$0x2];
	[bflag:$0x3] =	sbarrier.arrive $0xFFFF;
	s2 =	simm.s32 @!p0 $0x1C05  }
0x43: {  	[timem:s3], [sflag:s2] =	dma.local @!p0 [hbm:s0], s1  }
0x44: {  	s0 =	simm.s32 @!p0 $0x5  }
0x45: {  	_ =	swait.ge @!p0 [sflag:s0], s1  }
0x46: {  	s1 =	ssub.s32 @!p0 $0x0, s1;
	[sflag:s0] =	ssyncset.done @!p0 $0x0  }
0x47: {  	[sflag:s0] =	ssyncadd.s32 @!p0 s1  }
0x48: {  	[bflag:$0x3] =	sbarrier.arrive $0xFFFF  }
0x49: {  	_ =	shalt  }

// kernel: kernel.8.cloned.1.call-start
scs
__scs_entry_jumppad:
0x0: {  	(pc) =	sbr.rel $0x88, $3  }
0x1: {  	(tag) =	ssettag $0x0;
	lr =	simm.s32 $0x1  }
0x2: {  	[smem:$0x3F9B] =	sst lr;
	_ =	strace $0xD0000000  }
0x3: {  	_ = 	snop  }
0x4: {  	_ = 	snop  }
0x5: {  	_ = 	snop  }
0x6: {  	_ = 	snop  }
0x7: {  	_ = 	snop  }
__scs_overlays_trampoline_lowered:
0x8: {  	[smem:$0x3FAA] =	sst s0  }
0x9: {  	[smem:$0x3FAB] =	sst s1  }
0xa: {  	[smem:$0x3FAC] =	sst s2  }
0xb: {  	[smem:$0x3FAD] =	sst s3  }
0xc: {  	[smem:$0x3FAE] =	sst s4  }
0xd: {  	[smem:$0x3FAF] =	sst s5  }
0xe: {  	[smem:$0x3FB0] =	sst s6  }
0xf: {  	[smem:$0x3FB1] =	sst s7  }
0x10: {  	[smem:$0x3FB2] =	sst s8  }
0x11: {  	[smem:$0x3FB3] =	sst s9;
	s0 =	simm.s32 @!p0 $0x0  }
0x12: {  	s1 =	sld [smem:$0x3F99];
	s0 =	simm.s32 @p0 $0x1  }
0x13: {  	[smem:$0x3FB4] =	sst s0;
	s0 =	simm.s32 @!p1 $0x0  }
0x14: {  	s2 =	sld [smem:$0x3F98];
	s0 =	simm.s32 @p1 $0x1  }
0x15: {  	[smem:$0x3FB5] =	sst s0;
	s0 =	simm.s32 @!p2 $0x0  }
0x16: {  	s3 =	sld [smem:$0x3FDB];
	s0 =	simm.s32 @p2 $0x1  }
0x17: {  	s4 =	simm.s32 $0x1BF5;
	[smem:$0x3FB7] =	sst s0  }
0x18: {  	s0 =	sld [smem:$0x3F9A];
	_ =	swait.ge [sflag:s4], $0x0  }
0x19: {  	s7 =	sld [smem:$0x3F9B]  }
0x1a: {  	s8 =	sadd.s32 $0xFFFFE003, lr  }
0x1b: {  	s9 =	sadd.s32 $0xFFFFFEF7, lr;
	s5 =	simm.s32 $0xFFFFFFFF;
	p2 =	slt.u32 s8, $0xFFFFF086  }
0x1c: {  	p1 =	slt.u32 s9, $0xF7A;
	s5 =	simm.s32 @!p2 $0x0  }
0x1d: {  	s5 =	simm.s32 @p1 $0x1;
	p0 =	seq.s32 s7, s2  }
0x1e: {  	s7 =	smul.u32 @!p0 $0xF7A, s2;
	p2 =	seq.s32 @!p0 s5, $0x0  }
0x1f: {  	s9 =	smul.u32 $0xF7A, s1;
	s8 =	simm.s32 @!p0 $0x1BF5;
	p2 =	por !p2, p0  }
0x20: {  	[sflag:s8] =	ssyncset.s32 @!p0 $0xFFFFF086;
	s6 =	sadd.s32 @!p0 s3, s7;
	s7 =	simm.s32 @!p0 $0x108  }
0x21: {  	s3 =	sadd.s32 s3, s9;
	s6 =	sadd.s32 @!p0 $0x88, s6;
	s7 =	simm.s32 @p2 $0x1082  }
0x22: {  	[simem:s7], [sflag:s8] =	dma.local @!p0 [hbm:s6], $0xF7A  }
0x23: {  	s9 =	sor.u32 $0xD0000000, s2;
	s6 =	simm.s32 $0x108;
	_ =	swait.ge @!p0 [sflag:s8], $0x0  }
0x24: {  	s3 =	sadd.s32 $0x88, s3;
	s6 =	simm.s32 @!p1 $0x1082;
	[sflag:s4] =	ssyncset.s32 $0xFFFFF086  }
0x25: {  	[simem:s6], [sflag:s4] =	dma.local [hbm:s3], $0xF7A  }
0x26: {  	[smem:$0x3F9B] =	sst s1;
	(tag) =	ssettag s2;
	_ =	strace s9  }
0x27: {  	s1 =	sld [smem:$0x3FAB]  }
0x28: {  	s2 =	sld [smem:$0x3FAC]  }
0x29: {  	s4 =	sld [smem:$0x3FAE]  }
0x2a: {  	p0 =	seq.s32 s5, $0x0;
	s5 =	sld [smem:$0x3FAF]  }
0x2b: {  	s6 =	sld [smem:$0x3FB0]  }
0x2c: {  	s7 =	sld [smem:$0x3FB1]  }
0x2d: {  	s3 =	simm.s32 $0x108;
	s8 =	sld [smem:$0x3FB2]  }
0x2e: {  	s3 =	simm.s32 @!p0 $0x1082;
	s9 =	sld [smem:$0x3FB3]  }
0x2f: {  	lr =	sadd.s32 s0, s3;
	s0 =	sld [smem:$0x3FAA]  }
0x30: {  	s3 =	sld [smem:$0x3FAD]  }
0x31: {  	[smem:$0x3FB6] =	sst s10  }
0x32: {  	s10 =	sld [smem:$0x3FB4];
	_ =	sdelay $0x3  }
0x33: {  	p0 =	seq.s32 s10, $0x1;
	s10 =	sld [smem:$0x3FB6];
	_ =	sdelay $0x3  }
0x34: {  	[smem:$0x3FB6] =	sst s10  }
0x35: {  	s10 =	sld [smem:$0x3FB5];
	_ =	sdelay $0x3  }
0x36: {  	p1 =	seq.s32 s10, $0x1;
	s10 =	sld [smem:$0x3FB6];
	_ =	sdelay $0x3  }
0x37: {  	[smem:$0x3FB6] =	sst s10  }
0x38: {  	s10 =	sld [smem:$0x3FB7]  }
0x39: {  	_ = 	snop;
	(pc) =	sbr.ind lr, $3  }
0x3a: {  	_ = 	snop  }
0x3b: {  	_ = 	snop  }
0x3c: {  	p2 =	seq.s32 s10, $0x1;
	s10 =	sld [smem:$0x3FB6]  }
0x3d: {  	_ =	shalt  }
0x3e: {  	_ =	shalt  }
0x3f: {  	_ =	shalt  }
0x40: {  	_ =	shalt  }
0x41: {  	_ =	shalt  }
0x42: {  	_ =	shalt  }
0x43: {  	_ =	shalt  }
0x44: {  	_ =	shalt  }
0x45: {  	_ =	shalt  }
0x46: {  	_ =	shalt  }
0x47: {  	_ =	shalt  }
0x48: {  	_ =	shalt  }
0x49: {  	_ =	shalt  }
0x4a: {  	_ =	shalt  }
0x4b: {  	_ =	shalt  }
0x4c: {  	_ =	shalt  }
0x4d: {  	_ =	shalt  }
0x4e: {  	_ =	shalt  }
0x4f: {  	_ =	shalt  }
0x50: {  	_ =	shalt  }
0x51: {  	_ =	shalt  }
0x52: {  	_ =	shalt  }
0x53: {  	_ =	shalt  }
0x54: {  	_ =	shalt  }
0x55: {  	_ =	shalt  }
0x56: {  	_ =	shalt  }
0x57: {  	_ =	shalt  }
0x58: {  	_ =	shalt  }
0x59: {  	_ =	shalt  }
0x5a: {  	_ =	shalt  }
0x5b: {  	_ =	shalt  }
0x5c: {  	_ =	shalt  }
0x5d: {  	_ =	shalt  }
0x5e: {  	_ =	shalt  }
0x5f: {  	_ =	shalt  }
0x60: {  	_ =	shalt  }
0x61: {  	_ =	shalt  }
0x62: {  	_ =	shalt  }
0x63: {  	_ =	shalt  }
0x64: {  	_ =	shalt  }
0x65: {  	_ =	shalt  }
0x66: {  	_ =	shalt  }
0x67: {  	_ =	shalt  }
0x68: {  	_ =	shalt  }
0x69: {  	_ =	shalt  }
0x6a: {  	_ =	shalt  }
0x6b: {  	_ =	shalt  }
0x6c: {  	_ =	shalt  }
0x6d: {  	_ =	shalt  }
0x6e: {  	_ =	shalt  }
0x6f: {  	_ =	shalt  }
0x70: {  	_ =	shalt  }
0x71: {  	_ =	shalt  }
0x72: {  	_ =	shalt  }
0x73: {  	_ =	shalt  }
0x74: {  	_ =	shalt  }
0x75: {  	_ =	shalt  }
0x76: {  	_ =	shalt  }
0x77: {  	_ =	shalt  }
0x78: {  	_ =	shalt  }
0x79: {  	_ =	shalt  }
0x7a: {  	_ =	shalt  }
0x7b: {  	_ =	shalt  }
0x7c: {  	_ =	shalt  }
0x7d: {  	_ =	shalt  }
0x7e: {  	_ =	shalt  }
0x7f: {  	_ =	shalt  }
0x80: {  	_ =	shalt  }
0x81: {  	_ =	shalt  }
0x82: {  	_ =	shalt  }
0x83: {  	_ =	shalt  }
0x84: {  	_ =	shalt  }
0x85: {  	_ =	shalt  }
0x86: {  	_ =	shalt  }
0x87: {  	_ =	shalt  }
.Lfunc_end0:
.L_simem_size_0:
called_computation.1_lowered:
.L_overlay_start_0:
0x88: {  	s2 =	sld [smem:$0x3FD9]  }
0x89: {  	s3 =	sld [smem:$0x3FFE];
	_ =	sdelay $0x1  }
0x8a: {  	s1 =	srdreg.scid  }
0x8b: {  	s0 =	sand.u32 $0x1, s1  }
0x8c: {  	s17 =	sshll.u32 s0, $0xA;
	s2 =	sadd.s32 s3, s2  }
0x8d: {  	s2 =	sadd.s32 s2, s17  }
0x8e: {  	[smem:$0x3FC2] =	sst s2  }
0x8f: {  	_ = 	snop  }
0x90: {  	s18 =	sld [smem:$0x3FC5];
	(tm) =	ssettm $0x1  }
0x91: {  	s19 =	sld [smem:$0x3FFB];
	_ =	sdelay $0x3  }
0x92: {  	_ =	strace s19  }
0x93: {  	s2 =	sld [smem:$0x3FFC];
	_ =	sdelay $0x3  }
0x94: {  	_ =	strace s2  }
0x95: {  	s2 =	sld [smem:$0x3FFD];
	_ =	sdelay $0x3  }
0x96: {  	_ =	strace s2  }
0x97: {  	_ =	strace $0x8FFFFFFF  }
0x98: {  	s20 =	sld [smem:$0x3FDB];
	_ =	sdelay $0x1  }
0x99: {  	s4 =	simm.s32 $_scs_section_size  }
0x9a: {  	s5 =	simm.s32 $_size__tile_overlayer_lowered;
	s6 =	simm.s32 $_tile_overlayer_lowered  }
0x9b: {  	s7 =	simm.s32 $0x1BFF;
	s21 =	sshll.u32 s6, $0x1;
	s4 =	sadd.s32 s4, s20  }
0x9c: {  	s22 =	simm.s32 $0x0;
	s5 =	sshll.u32 s5, $0x1;
	s6 =	sadd.s32 s21, s4  }
0x9d: {  	[timem:s22], [sflag:s7] =	dma.local [hbm:s6], s5  }
0x9e: {  	_ =	swait.ge [sflag:s7], s5  }
0x9f: {  	s5 =	ssub.s32 $0x0, s5;
	[sflag:s7] =	ssyncset.done $0x0  }
0xa0: {  	[sflag:s7] =	ssyncadd.s32 s5;
	_ =	sdelay $0x1  }
0xa1: {  	s23 =	simm.s32 $0x1B8B  }
0xa2: {  	_ =	swait.ge [sflag:s23], $0x1  }
0xa3: {  	[sflag:s23] =	ssyncset.done $0x0  }
0xa4: {  	[sflag:s23] =	ssyncadd.s32 $0xFFFFFFFF  }
0xa5: {  	s5 =	sld [smem:$0x0]  }
0xa6: {  	s6 =	sand.u32 $0xFFFFFFFE, s1  }
0xa7: {  	p0 =	sne.s32 s1, s6  }
0xa8: {  	s6 =	sshll.u32 @p0 s6, $0xE  }
0xa9: {  	s6 =	sadd.s32 @p0 $0x11B8D, s6;
	s7 =	sshll.u32 @p0 s5, $0x11  }
0xaa: {  	s6 =	sor.u32 @p0 s7, s6  }
0xab: {  	[sflag:s6] =	ssyncadd.remote.s32 @p0 $0x1;
	_ =	sdelay $0x1  }
0xac: {  	s6 =	simm.s32 @p0 $0x1B8D  }
0xad: {  	_ =	swait.eq @p0 [sflag:s6], $0x1  }
0xae: {  	[sflag:s6] =	ssyncadd.s32 @p0 $0xFFFFFFFF  }
0xaf: {  	s7 =	sshll.u32 @!p0 s1, $0xE  }
0xb0: {  	s7 =	sor.u32 @!p0 $0x4000, s7;
	s6 =	simm.s32 @!p0 $0x1B8D  }
0xb1: {  	s5 =	sshll.u32 @!p0 s5, $0x11;
	s7 =	sadd.s32 @!p0 $0x11B8D, s7;
	_ =	swait.eq @!p0 [sflag:s6], $0x1  }
0xb2: {  	s5 =	sor.u32 @!p0 s5, s7;
	[sflag:s6] =	ssyncadd.s32 @!p0 $0xFFFFFFFF  }
0xb3: {  	s25 =	simm.s32 $0x1B8E;
	s24 =	sld [smem:$0x3FFE];
	[sflag:s5] =	ssyncadd.remote.s32 @!p0 $0x1  }
0xb4: {  	s26 =	simm.s32 $execute0_lowered;
	[smem:$0x3FD2] =	sst s25  }
0xb5: {  	s6 =	sshll.u32 s26, $0x1;
	_ =	strace $0x80000049;
	[dreg:$0x1] =	wrdreg $0xFFFFFFFF  }
0xb6: {  	s28 =	simm.s32 $_size_execute0_lowered;
	s4 =	sadd.s32 s4, s6;
	[dreg:$0x0] =	wrdreg $0x0  }
0xb7: {  	s6 =	sshll.u32 s28, $0x1;
	[dreg:$0x2] =	wrdreg s4  }
0xb8: {  	[dreg:$0x3] =	wrdreg s6  }
0xb9: {  	[dreg:$0x4] =	wrdreg $0xC0  }
0xba: {  	_ =	task [dreg:s22], $0x5FFFF  }
0xbb: {  	[dreg:$0x1] =	wrdreg $0xFFFFFFFF  }
0xbc: {  	[dreg:$0x0] =	wrdreg $0x60  }
0xbd: {  	[dreg:$0x2] =	wrdreg s24  }
0xbe: {  	[dreg:$0x3] =	wrdreg s18  }
0xbf: {  	[dreg:$0x4] =	wrdreg $0xA  }
0xc0: {  	_ =	task.clear_ibuf [dreg:s22], $0x5FFFF;
	_ =	strace $0x90000049  }
0xc1: {  	s29 =	simm.s32 $0xA;
	_ =	strace $0x8000004B  }
0xc2: {  	_ =	swait.ge [sflag:s29], $0x1  }
0xc3: {  	[sflag:s29] =	ssyncadd.s32 $0xFFFFFFFF  }
0xc4: {  	_ =	strace $0x9000004B  }
0xc5: {  	_ =	sfence  }
0xc6: {  	s30 =	sld [smem:$0x0];
	_ =	sdelay $0x2  }
0xc7: {  	s31 =	sshll.u32 s1, $0xD;
	s1 =	sshrl.u32 s1, $0x2  }
0xc8: {  	s4 =	sand.u32 $0x4000, s31;
	s1 =	sadd.s32 s1, s30  }
0xc9: {  	s0 =	sor.u32 s4, s0;
	s1 =	sshll.u32 s1, $0x11  }
0xca: {  	s0 =	sor.u32 s1, s0  }
0xcb: {  	s0 =	sadd.s32 $0x8F2B, s0  }
0xcc: {  	[sflag:s0] =	ssyncadd.remote.s32 $0x1  }
0xcd: {  	_ =	sfence.sel $0xFFFF  }
0xce: {  	[dreg:$0x0] =	wrdreg $0xFFFFFFFF;
	(pc) =	sbr.abs _section_cstart, $3  }
0xcf: {  	[dreg:$0x1] =	wrdreg $0xFFFFFFFF  }
0xd0: {  	_ =	task.clear_ibuf [dreg:s22], $0x2FFFF;
	_ =	strace $0x9FFFFFFF  }
0xd1: {  	(tm) =	ssettm $0x7FFFFFFF  }
tec
execute0_lowered:
.L_overlay_start_1:
0x0: {  	(tag) =	ssettag $0x1  }
0x1: {  	s1 =	srdreg.scid;
	s0 =	stileid.u32  }
0x2: {  	s15 =	sand.u32 $0x1, s1;
	s29 =	sshll.u32 s0, $0x1  }
0x3: {  	s11 =	rddreg [dreg:$0x0];
	s9 =	sor.u32 s15, s29  }
0x4: {  	s8 =	rddreg [dreg:$0x1];
	s2 =	simm.s32 $0x0;
	s3 =	smul.u32 $0x620, s9  }
0x5: {  	[smem:$0x7FF] =	sst s2  }
0x6: {  	s1 =	rddreg [dreg:$0x2];
	_ =	strace $0x8000004A;
	s4 =	sshrl.u32 s3, $0x3  }
0x7: {  	s5 =	smin.u32 s3, $0xBD30;
	s3 =	sadd.s32 s8, s4;
	s4 =	simm.s32 $0x5  }
0x8: {  	[tilespmem:s2], [sflag:$0x5] =	stream.linear.gather [hbm4b:s3+s2], $0x310, $0x38;
	[tilespmem:$0x18E20] =	vst v63  }
0x9: {  	s6 =	simm.s32 $0x310;
	_ =	swait.ge [sflag:s4], $0x310  }
0xa: {  	s7 =	simm.s32 $0x620;
	s16 =	sadd.s32 $0x310, s5;
	[sflag:s4] =	ssyncset.done $0x0  }
0xb: {  	s5 =	sadd.s32 $0x3D3200, s11;
	s10 =	sshrl.u32 s16, $0x3;
	[sflag:s4] =	ssyncadd.s32 $0xFFFFFCF0  }
0xc: {  	[tilespmem:s7], [sflag:$0x1] =	stream.indirect.gather [hbm4b:s5+s6], $0x40, s2, s6, $0xb8;
	[tilespmem:$0x18E20] =	vst v63  }
0xd: {  	s8 =	sadd.s32 s8, s10  }
0xe: {  	[tilespmem:s6], [sflag:$0x5] =	stream.linear.gather [hbm4b:s8+s2], $0x310, $0x38;
	[tilespmem:$0x18E20] =	vst v63  }
0xf: {  	s13 =	simm.s32 $0x80;
	_ =	swait.ge [sflag:s4], $0x310  }
0x10: {  	s14 =	simm.s32 $0x2;
	s12 =	smul.u32 $0x6200, s9;
	[sflag:s4] =	ssyncset.done $0x0  }
0x11: {  	s9 =	simm.s32 $0xCA20;
	s10 =	simm.s32 $0x1;
	[sflag:s4] =	ssyncadd.s32 $0xFFFFFCF0  }
0x12: {  	[tilespmem:s9], [sflag:$0x2] =	stream.indirect.gather [hbm4b:s5+s6], $0x40, s6, s6, $0xb8;
	[tilespmem:$0x18E20] =	vst v63  }
0x13: {  	s17 =	sadd.s32 $0x24C800, s11;
	s18 =	ssub.s32 $0x2, s15;
	_ =	swait.ge [sflag:s10], $0xC400  }
0x14: {  	s31 =	sshrl.u32 s18, $0x1;
	s11 =	sadd.s32 s17, s12;
	[sflag:s10] =	ssyncset.done $0x0  }
0x15: {  	s12 =	simm.s32 $0x40;
	s30 =	sshll.u32 s16, $0x4;
	[sflag:s10] =	ssyncadd.s32 $0xFFFF3C00  }
0x16: {  	[hbm4b:s11+s12] =	stream.strided.scatter [tilespmem:s7], [sflag:$0x3], $0xC400, s13, s12, $0x38;
	[tilespmem:$0x18E20] =	vst v63  }
0x17: {  	s15 =	sadd.s32 s17, s30;
	s17 =	ssub.s32 s18, s31;
	_ =	swait.ge [sflag:s14], $0xC400  }
0x18: {  	s18 =	smax.u32 s17, $0x1;
	[sflag:s14] =	ssyncset.done $0x0  }
0x19: {  	s16 =	simm.s32 $0x3;
	p0 =	sne.s32 s18, $0x1;
	[sflag:s14] =	ssyncadd.s32 $0xFFFF3C00  }
0x1a: {  	[hbm4b:s15+s12] =	stream.strided.scatter [tilespmem:s9], [sflag:$0x4], $0xC400, s13, s12, $0x38;
	[tilespmem:$0x18E20] =	vst v63  }
.Ltmp0:
0x1b: {  	_ =	swait.ge [sflag:s16], $0xC400;
	(pc) =	sbr.rel @!p0 .LBB2_2-.Ltmp0, $4  }
0x1c: {  	[sflag:s16] =	ssyncset.done $0x0  }
0x1d: {  	s17 =	simm.s32 $0x4;
	[sflag:s16] =	ssyncadd.s32 $0xFFFF3C00  }
0x1e: {  	_ =	swait.ge [sflag:s17], $0xC400  }
0x1f: {  	s18 =	sadd.s32 $0xFFFFFFFF, s18;
	[sflag:s17] =	ssyncset.done $0x0  }
.LBB2_1:
0x20: {  	p0 =	sne.s32 s18, $0x1;
	s18 =	sadd.s32 $0xFFFFFFFF, s18;
	[sflag:s17] =	ssyncadd.s32 $0xFFFF3C00  }
0x21: {  	[tilespmem:s2], [sflag:$0x5] =	stream.linear.gather [hbm4b:s3+s2], $0x310, $0x38;
	[tilespmem:$0x18E20] =	vst v63  }
0x22: {  	_ =	swait.ge [sflag:s4], $0x310  }
0x23: {  	[sflag:s4] =	ssyncset.done $0x0  }
0x24: {  	[sflag:s4] =	ssyncadd.s32 $0xFFFFFCF0  }
0x25: {  	[tilespmem:s7], [sflag:$0x1] =	stream.indirect.gather [hbm4b:s5+s6], $0x40, s2, s6, $0xb8;
	[tilespmem:$0x18E20] =	vst v63  }
0x26: {  	_ = 	snop  }
0x27: {  	[tilespmem:s6], [sflag:$0x5] =	stream.linear.gather [hbm4b:s8+s2], $0x310, $0x38;
	[tilespmem:$0x18E20] =	vst v63  }
0x28: {  	_ =	swait.ge [sflag:s4], $0x310  }
0x29: {  	[sflag:s4] =	ssyncset.done $0x0  }
0x2a: {  	[sflag:s4] =	ssyncadd.s32 $0xFFFFFCF0  }
0x2b: {  	[tilespmem:s9], [sflag:$0x2] =	stream.indirect.gather [hbm4b:s5+s6], $0x40, s6, s6, $0xb8;
	[tilespmem:$0x18E20] =	vst v63  }
0x2c: {  	_ =	swait.ge [sflag:s10], $0xC400  }
0x2d: {  	[sflag:s10] =	ssyncset.done $0x0  }
0x2e: {  	[sflag:s10] =	ssyncadd.s32 $0xFFFF3C00  }
0x2f: {  	[hbm4b:s11+s12] =	stream.strided.scatter [tilespmem:s7], [sflag:$0x3], $0xC400, s13, s12, $0x38;
	[tilespmem:$0x18E20] =	vst v63  }
0x30: {  	_ =	swait.ge [sflag:s14], $0xC400  }
0x31: {  	[sflag:s14] =	ssyncset.done $0x0  }
0x32: {  	[sflag:s14] =	ssyncadd.s32 $0xFFFF3C00  }
0x33: {  	[hbm4b:s15+s12] =	stream.strided.scatter [tilespmem:s9], [sflag:$0x4], $0xC400, s13, s12, $0x38;
	[tilespmem:$0x18E20] =	vst v63  }
.Ltmp1:
0x34: {  	_ =	swait.ge [sflag:s16], $0xC400;
	(pc) =	sbr.rel @p0 .LBB2_1-.Ltmp1, $4  }
0x35: {  	[sflag:s16] =	ssyncset.done $0x0  }
0x36: {  	[sflag:s16] =	ssyncadd.s32 $0xFFFF3C00  }
0x37: {  	_ =	swait.ge [sflag:s17], $0xC400  }
0x38: {  	[sflag:s17] =	ssyncset.done $0x0  }
.LBB2_2:
0x39: {  	[sflag:s17] =	ssyncadd.s32 $0xFFFF3C00  }
0x3a: {  	_ =	sfence.sel $0x180000  }
0x3b: {  	[bflag:$0x0] =	sbarrier.arrive $0xFFFF  }
0x3c: {  	p0 =	sne.s32 s0, $0x0;
	_ =	strace $0x9000004A  }
0x3d: {  	s0 =	sadd.s32 @!p0 $0x100000, s1;
	[bflag:$0x2] =	sbarrier.arrive $0xFFFF  }
0x3e: {  	[sflag:s0] =	ssyncadd.tile.s32 @!p0 $0x1;
	_ =	shalt  }
.Lfunc_end2:
_tile_overlayer_lowered:
.L_overlay_start_2:
0x3f: {  	(tag) =	ssettag $0x2  }
0x40: {  	s0 =	rddreg [dreg:$0x0];
	s2 =	stileid.u32  }
0x41: {  	s1 =	rddreg [dreg:$0x1];
	p0 =	sne.s32 s2, $0x0  }
0x42: {  	s3 =	rddreg [dreg:$0x2];
	[bflag:$0x3] =	sbarrier.arrive $0xFFFF;
	s2 =	simm.s32 @!p0 $0x1C05  }
0x43: {  	[timem:s3], [sflag:s2] =	dma.local @!p0 [hbm:s0], s1  }
0x44: {  	s0 =	simm.s32 @!p0 $0x5  }
0x45: {  	_ =	swait.ge @!p0 [sflag:s0], s1  }
0x46: {  	s1 =	ssub.s32 @!p0 $0x0, s1;
	[sflag:s0] =	ssyncset.done @!p0 $0x0  }
0x47: {  	[sflag:s0] =	ssyncadd.s32 @!p0 s1  }
0x48: {  	[bflag:$0x3] =	sbarrier.arrive $0xFFFF  }
0x49: {  	_ =	shalt  }

</sc_bundles>
